<compile_context>
chip_gen: v7x
topology: tpu7x:2x2x1
jax: 0.10.2.dev20260603
libtpu: 0.0.44.dev20260713+nightly
codegen_flags: <defaults>
</compile_context>

<pallas_src>
import functools

import jax
import jax.numpy as jnp
from jax import lax
from jax.experimental import pallas as pl
from jax.experimental.pallas import tpu as pltpu
from jax.experimental.pallas import tpu_sc as plsc

B = 16384
D = 64
N = 1000000
W = 8192
NG = (N + 2 * W - 1) // (2 * W)
NP = NG * W
DP = 2 * D
NC = 2
NS = 16
NW_ = NC * NS
BPW = B // NW_
CHUNK = 128
NCHUNK = BPW // CHUNK


def _tc_transpose_body(x_ref, o_ref):
    x = x_ref[...]
    o_ref[...] = jnp.concatenate([x[:, :W], x[:, W:]], axis=0).T


def _tc_transpose(wt):
    return pl.pallas_call(
        _tc_transpose_body,
        grid=(NG,),
        in_specs=[pl.BlockSpec((D, 2 * W), lambda i: (0, i))],
        out_specs=pl.BlockSpec((W, DP), lambda i: (i, 0)),
        out_shape=jax.ShapeDtypeStruct((NP, DP), jnp.float32),
    )(wt)


def _sc_gather(uid3, iid3, u_pairs, i_pairs):
    mesh = plsc.VectorSubcoreMesh(
        core_axis_name="c", subcore_axis_name="s", num_cores=NC, num_subcores=NS
    )
    row_t = jax.ShapeDtypeStruct((B, DP), jnp.float32)

    @functools.partial(
        pl.kernel,
        out_type=[row_t, row_t],
        mesh=mesh,
        scratch_types=[
            pltpu.VMEM((NCHUNK, CHUNK), jnp.int32),
            pltpu.VMEM((NCHUNK, CHUNK), jnp.int32),
            pltpu.VMEM((2, CHUNK, DP), jnp.float32),
            pltpu.VMEM((2, CHUNK, DP), jnp.float32),
            pltpu.SemaphoreType.DMA((2, 2)),
            pltpu.SemaphoreType.DMA((2, 2)),
        ],
    )
    def k(u_tbl, i_tbl, uid_hbm, iid_hbm, u_out, i_out, uid_v, iid_v, u_rows, i_rows, gsem, osem):
        wid = lax.axis_index("s") * NC + lax.axis_index("c")
        base = wid * BPW
        pltpu.sync_copy(uid_hbm.at[wid], uid_v)
        pltpu.sync_copy(iid_hbm.at[wid], iid_v)
        gathers = [None, None]
        drains = [None, None]
        for j in range(NCHUNK):
            s = j % 2
            if drains[s] is not None:
                for c in drains[s]:
                    c.wait()
                drains[s] = None
            gathers[s] = (
                pltpu.async_copy(u_tbl.at[uid_v.at[j]], u_rows.at[s], gsem.at[s, 0]),
                pltpu.async_copy(i_tbl.at[iid_v.at[j]], i_rows.at[s], gsem.at[s, 1]),
            )
            if j >= 1:
                sp = (j - 1) % 2
                for c in gathers[sp]:
                    c.wait()
                gathers[sp] = None
                dst = pl.ds(base + (j - 1) * CHUNK, CHUNK)
                drains[sp] = (
                    pltpu.async_copy(u_rows.at[sp], u_out.at[dst], osem.at[sp, 0]),
                    pltpu.async_copy(i_rows.at[sp], i_out.at[dst], osem.at[sp, 1]),
                )
        s = (NCHUNK - 1) % 2
        for c in gathers[s]:
            c.wait()
        dst = pl.ds(base + (NCHUNK - 1) * CHUNK, CHUNK)
        drains[s] = (
            pltpu.async_copy(u_rows.at[s], u_out.at[dst], osem.at[s, 0]),
            pltpu.async_copy(i_rows.at[s], i_out.at[dst], osem.at[s, 1]),
        )
        for d in drains:
            if d is not None:
                for c in d:
                    c.wait()

    return k(u_pairs, i_pairs, uid3, iid3)


def _tc_dot_body(u_ref, i_ref, up_ref, ip_ref, o_ref):
    u2 = u_ref[...]
    i2 = i_ref[...]
    ul, uh = u2[:, :D], u2[:, D:]
    il, ih = i2[:, :D], i2[:, D:]
    shp = o_ref.shape
    ll = jnp.sum(ul * il, axis=1).reshape(shp)
    lh = jnp.sum(ul * ih, axis=1).reshape(shp)
    hl = jnp.sum(uh * il, axis=1).reshape(shp)
    hh = jnp.sum(uh * ih, axis=1).reshape(shp)
    up = up_ref[...]
    ip = ip_ref[...]
    o_ref[...] = (
        (1.0 - up) * ((1.0 - ip) * ll + ip * lh)
        + up * ((1.0 - ip) * hl + ip * hh)
    )


def _tc_dot(u_e, i_e, u_par, i_par):
    rows_per_blk = 2048
    grid = (B // rows_per_blk,)
    out = pl.pallas_call(
        _tc_dot_body,
        grid=grid,
        in_specs=[
            pl.BlockSpec((rows_per_blk, DP), lambda i: (i, 0)),
            pl.BlockSpec((rows_per_blk, DP), lambda i: (i, 0)),
            pl.BlockSpec((rows_per_blk // 128, 128), lambda i: (i, 0)),
            pl.BlockSpec((rows_per_blk // 128, 128), lambda i: (i, 0)),
        ],
        out_specs=pl.BlockSpec((rows_per_blk // 128, 128), lambda i: (i, 0)),
        out_shape=jax.ShapeDtypeStruct((B // 128, 128), jnp.float32),
    )(u_e, i_e, u_par, i_par)
    return out.reshape(B)


def kernel(u_ids, i_ids, user_weight, item_weight):
    u_pairs = _tc_transpose(user_weight.T)
    i_pairs = _tc_transpose(item_weight.T)
    u_pair_idx = (u_ids >> 14) * W + (u_ids & (W - 1))
    i_pair_idx = (i_ids >> 14) * W + (i_ids & (W - 1))
    uid3 = u_pair_idx.reshape(NW_, NCHUNK, CHUNK)
    iid3 = i_pair_idx.reshape(NW_, NCHUNK, CHUNK)
    u_e, i_e = _sc_gather(uid3, iid3, u_pairs, i_pairs)
    u_par = ((u_ids >> 13) & 1).astype(jnp.float32).reshape(B // 128, 128)
    i_par = ((i_ids >> 13) & 1).astype(jnp.float32).reshape(B // 128, 128)
    return _tc_dot(u_e, i_e, u_par, i_par)

# --- scband reference (transcript-rebuilt; emitter-appended) ---
"""Pipeline reference for scband-bprmf-39633958207885 (READ-ONLY COPY).

The authoritative reference and input builder live on the scoring server;
editing this copy changes nothing except your own understanding.
"""

import jax, jax.numpy as jnp
import numpy as np

USER_TOTAL = 1000000
ITEM_TOTAL = 1000000
EMBED_DIM = 64
BATCH = 16384

def _l2_normalize(x, eps=1e-12):
    norm = jnp.sqrt(jnp.sum(x * x, axis=1, keepdims=True))
    return x / jnp.maximum(norm, eps)

def setup_inputs(seed: int = 0) -> dict:
    key = jax.random.key(seed)
    k1, k2, k3, k4 = jax.random.split(key, 4)
    # xavier_uniform bound = sqrt(6/(fan_in+fan_out))
    bound_u = float(np.sqrt(6.0 / (USER_TOTAL + EMBED_DIM)))
    bound_i = float(np.sqrt(6.0 / (ITEM_TOTAL + EMBED_DIM)))
    user_weight = jax.random.uniform(k1, (USER_TOTAL, EMBED_DIM), minval=-bound_u, maxval=bound_u, dtype=jnp.float32)
    item_weight = jax.random.uniform(k2, (ITEM_TOTAL, EMBED_DIM), minval=-bound_i, maxval=bound_i, dtype=jnp.float32)
    user_weight = _l2_normalize(user_weight)
    item_weight = _l2_normalize(item_weight)
    u_ids = jax.random.randint(k3, (BATCH,), 0, USER_TOTAL, dtype=jnp.int64) if jax.config.jax_enable_x64 else jax.random.randint(k3, (BATCH,), 0, USER_TOTAL).astype(jnp.int32)
    i_ids = jax.random.randint(k4, (BATCH,), 0, ITEM_TOTAL, dtype=jnp.int64) if jax.config.jax_enable_x64 else jax.random.randint(k4, (BATCH,), 0, ITEM_TOTAL).astype(jnp.int32)
    return {"u_ids": u_ids, "i_ids": i_ids, "user_weight": user_weight, "item_weight": item_weight}

def reference(u_ids, i_ids, user_weight, item_weight):
    # Embedding lookups (gather)
    u_e = jnp.take(user_weight, u_ids, axis=0)  # [B, D]
    i_e = jnp.take(item_weight, i_ids, axis=0)  # [B, D]
    # bmm(u_e.unsqueeze(1), i_e.unsqueeze(2)).squeeze() == per-row dot product
    scores = jnp.sum(u_e * i_e, axis=-1)  # [B]
    return scores

if __name__ == "__main__":
    import jax
    _d = setup_inputs()
    print(jax.jit(kernel)(*tuple(_d.values())))

</pallas_src>

<mosaic_0001>
#map = affine_map<(d0, d1) -> (0, 0)>
#map1 = affine_map<(d0, d1) -> (0, 0, 0)>
module attributes {stable_mosaic.version = 14 : i64} {
  func.func @k(%arg0: i32, %arg1: i32, %arg2: memref<507904x128xf32, #tpu.memory_space<hbm>>, %arg3: memref<507904x128xf32, #tpu.memory_space<hbm>>, %arg4: memref<32x4x128xi32, #tpu.memory_space<hbm>>, %arg5: memref<32x4x128xi32, #tpu.memory_space<hbm>>, %arg6: memref<16384x128xf32, #tpu.memory_space<hbm>>, %arg7: memref<16384x128xf32, #tpu.memory_space<hbm>>, %arg8: memref<4x128xi32, #tpu.memory_space<vmem>>, %arg9: memref<4x128xi32, #tpu.memory_space<vmem>>, %arg10: memref<2x128x128xf32, #tpu.memory_space<vmem>>, %arg11: memref<2x128x128xf32, #tpu.memory_space<vmem>>, %arg12: memref<2x2x!tpu.dma_semaphore, #tpu.memory_space<semaphore_mem>>, %arg13: memref<2x2x!tpu.dma_semaphore, #tpu.memory_space<semaphore_mem>>) attributes {dimension_semantics = [#tpu.dimension_semantics<core_parallel>, #tpu.dimension_semantics<subcore_parallel>], iteration_bounds = array<i64: 2, 16>, scalar_prefetch = 0 : i64, scratch_operands = 6 : i64, tpu.core_type = #tpu.core_type<sc_vector_subcore>, window_params = [{transform_indices = #map}, {transform_indices = #map}, {transform_indices = #map1}, {transform_indices = #map1}, {transform_indices = #map}, {transform_indices = #map}]} {
    %mul3A = arith.constant 2 : i32
    %mul3A_0 = arith.muli %arg1, %mul3A : i32
    %add3A = arith.addi %mul3A_0, %arg0 : i32
    %mul3A_1 = arith.constant 512 : i32
    %mul3A_2 = arith.muli %add3A, %mul3A_1 : i32
    "tpu.region"() ({
      %run_scoped3A = tpu.sem_alloc : memref<!tpu.dma_semaphore, #tpu.memory_space<semaphore_mem>>
      %dma_start3A_537 = arith.constant 0 : i32
      %dma_start3A_538 = arith.constant 0 : i32
      %dma_start3A_539 = tpu.memref_slice %arg4[%add3A, %dma_start3A_537, %dma_start3A_538] : memref<32x4x128xi32, #tpu.memory_space<hbm>> -> memref<1x4x128xi32, #tpu.memory_space<hbm>>
      %dma_start3A_540 = tpu.memref_squeeze %dma_start3A_539 : memref<1x4x128xi32, #tpu.memory_space<hbm>> -> memref<4x128xi32, #tpu.memory_space<hbm>>
      %dma_start3A_541 = arith.constant 0 : i32
      %dma_start3A_542 = arith.constant 0 : i32
      %dma_start3A_543 = tpu.memref_slice %arg4[%add3A, %dma_start3A_541, %dma_start3A_542] : memref<32x4x128xi32, #tpu.memory_space<hbm>> -> memref<1x4x128xi32, #tpu.memory_space<hbm>>
      %dma_start3A_544 = tpu.memref_squeeze %dma_start3A_543 : memref<1x4x128xi32, #tpu.memory_space<hbm>> -> memref<4x128xi32, #tpu.memory_space<hbm>>
      tpu.enqueue_dma source(%dma_start3A_544 : memref<4x128xi32, #tpu.memory_space<hbm>>) target(%arg8 : memref<4x128xi32, #tpu.memory_space<vmem>>) target_semaphore(%run_scoped3A : memref<!tpu.dma_semaphore, #tpu.memory_space<semaphore_mem>>)
      %dma_wait3A_545 = arith.constant 0 : i32
      %dma_wait3A_546 = arith.constant 0 : i32
      %dma_wait3A_547 = tpu.memref_slice %arg4[%add3A, %dma_wait3A_545, %dma_wait3A_546] : memref<32x4x128xi32, #tpu.memory_space<hbm>> -> memref<1x4x128xi32, #tpu.memory_space<hbm>>
      %dma_wait3A_548 = tpu.memref_squeeze %dma_wait3A_547 : memref<1x4x128xi32, #tpu.memory_space<hbm>> -> memref<4x128xi32, #tpu.memory_space<hbm>>
      %dma_wait3A_549 = arith.constant 0 : i32
      %dma_wait3A_550 = arith.constant 0 : i32
      %dma_wait3A_551 = tpu.memref_slice %arg4[%add3A, %dma_wait3A_549, %dma_wait3A_550] : memref<32x4x128xi32, #tpu.memory_space<hbm>> -> memref<1x4x128xi32, #tpu.memory_space<hbm>>
      %dma_wait3A_552 = tpu.memref_squeeze %dma_wait3A_551 : memref<1x4x128xi32, #tpu.memory_space<hbm>> -> memref<4x128xi32, #tpu.memory_space<hbm>>
      tpu.wait_dma2 semaphore(%run_scoped3A : memref<!tpu.dma_semaphore, #tpu.memory_space<semaphore_mem>>) src(%dma_wait3A_552 : memref<4x128xi32, #tpu.memory_space<hbm>>) dst(%arg8 : memref<4x128xi32, #tpu.memory_space<vmem>>)
      tpu.yield
    }) : () -> ()
    "tpu.region"() ({
      %run_scoped3A = tpu.sem_alloc : memref<!tpu.dma_semaphore, #tpu.memory_space<semaphore_mem>>
      %dma_start3A_537 = arith.constant 0 : i32
      %dma_start3A_538 = arith.constant 0 : i32
      %dma_start3A_539 = tpu.memref_slice %arg5[%add3A, %dma_start3A_537, %dma_start3A_538] : memref<32x4x128xi32, #tpu.memory_space<hbm>> -> memref<1x4x128xi32, #tpu.memory_space<hbm>>
      %dma_start3A_540 = tpu.memref_squeeze %dma_start3A_539 : memref<1x4x128xi32, #tpu.memory_space<hbm>> -> memref<4x128xi32, #tpu.memory_space<hbm>>
      %dma_start3A_541 = arith.constant 0 : i32
      %dma_start3A_542 = arith.constant 0 : i32
      %dma_start3A_543 = tpu.memref_slice %arg5[%add3A, %dma_start3A_541, %dma_start3A_542] : memref<32x4x128xi32, #tpu.memory_space<hbm>> -> memref<1x4x128xi32, #tpu.memory_space<hbm>>
      %dma_start3A_544 = tpu.memref_squeeze %dma_start3A_543 : memref<1x4x128xi32, #tpu.memory_space<hbm>> -> memref<4x128xi32, #tpu.memory_space<hbm>>
      tpu.enqueue_dma source(%dma_start3A_544 : memref<4x128xi32, #tpu.memory_space<hbm>>) target(%arg9 : memref<4x128xi32, #tpu.memory_space<vmem>>) target_semaphore(%run_scoped3A : memref<!tpu.dma_semaphore, #tpu.memory_space<semaphore_mem>>)
      %dma_wait3A_545 = arith.constant 0 : i32
      %dma_wait3A_546 = arith.constant 0 : i32
      %dma_wait3A_547 = tpu.memref_slice %arg5[%add3A, %dma_wait3A_545, %dma_wait3A_546] : memref<32x4x128xi32, #tpu.memory_space<hbm>> -> memref<1x4x128xi32, #tpu.memory_space<hbm>>
      %dma_wait3A_548 = tpu.memref_squeeze %dma_wait3A_547 : memref<1x4x128xi32, #tpu.memory_space<hbm>> -> memref<4x128xi32, #tpu.memory_space<hbm>>
      %dma_wait3A_549 = arith.constant 0 : i32
      %dma_wait3A_550 = arith.constant 0 : i32
      %dma_wait3A_551 = tpu.memref_slice %arg5[%add3A, %dma_wait3A_549, %dma_wait3A_550] : memref<32x4x128xi32, #tpu.memory_space<hbm>> -> memref<1x4x128xi32, #tpu.memory_space<hbm>>
      %dma_wait3A_552 = tpu.memref_squeeze %dma_wait3A_551 : memref<1x4x128xi32, #tpu.memory_space<hbm>> -> memref<4x128xi32, #tpu.memory_space<hbm>>
      tpu.wait_dma2 semaphore(%run_scoped3A : memref<!tpu.dma_semaphore, #tpu.memory_space<semaphore_mem>>) src(%dma_wait3A_552 : memref<4x128xi32, #tpu.memory_space<hbm>>) dst(%arg9 : memref<4x128xi32, #tpu.memory_space<vmem>>)
      tpu.yield
    }) : () -> ()
    %dma_start3A = arith.constant 0 : i32
    %dma_start3A_3 = arith.constant 0 : i32
    %dma_start3A_4 = arith.constant 0 : i32
    %dma_start3A_5 = arith.constant 0 : i32
    %dma_start3A_6 = arith.constant 0 : i32
    %dma_start3A_7 = arith.constant 0 : i32
    %dma_start3A_8 = tpu.memref_slice %arg10[%dma_start3A_3, %dma_start3A_6, %dma_start3A_7] : memref<2x128x128xf32, #tpu.memory_space<vmem>> -> memref<1x128x128xf32, #tpu.memory_space<vmem>>
    %dma_start3A_9 = tpu.memref_squeeze %dma_start3A_8 : memref<1x128x128xf32, #tpu.memory_space<vmem>> -> memref<128x128xf32, #tpu.memory_space<vmem>>
    %dma_start3A_10 = arith.constant 0 : i32
    %dma_start3A_11 = tpu.memref_slice %arg8[%dma_start3A, %dma_start3A_10] : memref<4x128xi32, #tpu.memory_space<vmem>> -> memref<1x128xi32, #tpu.memory_space<vmem>>
    %dma_start3A_12 = tpu.memref_squeeze %dma_start3A_11 : memref<1x128xi32, #tpu.memory_space<vmem>> -> memref<128xi32, #tpu.memory_space<vmem>>
    %dma_start3A_13 = arith.constant 0 : i32
    %dma_start3A_14 = arith.constant 0 : i32
    %dma_start3A_15 = tpu.memref_slice %arg2[%dma_start3A_13, %dma_start3A_14] : memref<507904x128xf32, #tpu.memory_space<hbm>> -> memref<507904x128xf32, #tpu.memory_space<hbm>>
    %dma_start3A_16 = tpu.memref_slice %arg12[%dma_start3A_4, %dma_start3A_5] : memref<2x2x!tpu.dma_semaphore, #tpu.memory_space<semaphore_mem>> -> memref<1x1x!tpu.dma_semaphore, #tpu.memory_space<semaphore_mem>>
    %dma_start3A_17 = tpu.memref_squeeze %dma_start3A_16 : memref<1x1x!tpu.dma_semaphore, #tpu.memory_space<semaphore_mem>> -> memref<!tpu.dma_semaphore, #tpu.memory_space<semaphore_mem>>
    tpu.enqueue_indirect_dma source(%dma_start3A_15 : memref<507904x128xf32, #tpu.memory_space<hbm>>) target(%dma_start3A_9 : memref<128x128xf32, #tpu.memory_space<vmem>>) offsets(%dma_start3A_12 : memref<128xi32, #tpu.memory_space<vmem>>) semaphore(%dma_start3A_17 : memref<!tpu.dma_semaphore, #tpu.memory_space<semaphore_mem>>)
    %dma_start3A_18 = arith.constant 0 : i32
    %dma_start3A_19 = arith.constant 0 : i32
    %dma_start3A_20 = arith.constant 0 : i32
    %dma_start3A_21 = arith.constant 1 : i32
    %dma_start3A_22 = arith.constant 0 : i32
    %dma_start3A_23 = arith.constant 0 : i32
    %dma_start3A_24 = tpu.memref_slice %arg11[%dma_start3A_19, %dma_start3A_22, %dma_start3A_23] : memref<2x128x128xf32, #tpu.memory_space<vmem>> -> memref<1x128x128xf32, #tpu.memory_space<vmem>>
    %dma_start3A_25 = tpu.memref_squeeze %dma_start3A_24 : memref<1x128x128xf32, #tpu.memory_space<vmem>> -> memref<128x128xf32, #tpu.memory_space<vmem>>
    %dma_start3A_26 = arith.constant 0 : i32
    %dma_start3A_27 = tpu.memref_slice %arg9[%dma_start3A_18, %dma_start3A_26] : memref<4x128xi32, #tpu.memory_space<vmem>> -> memref<1x128xi32, #tpu.memory_space<vmem>>
    %dma_start3A_28 = tpu.memref_squeeze %dma_start3A_27 : memref<1x128xi32, #tpu.memory_space<vmem>> -> memref<128xi32, #tpu.memory_space<vmem>>
    %dma_start3A_29 = arith.constant 0 : i32
    %dma_start3A_30 = arith.constant 0 : i32
    %dma_start3A_31 = tpu.memref_slice %arg3[%dma_start3A_29, %dma_start3A_30] : memref<507904x128xf32, #tpu.memory_space<hbm>> -> memref<507904x128xf32, #tpu.memory_space<hbm>>
    %dma_start3A_32 = tpu.memref_slice %arg12[%dma_start3A_20, %dma_start3A_21] : memref<2x2x!tpu.dma_semaphore, #tpu.memory_space<semaphore_mem>> -> memref<1x1x!tpu.dma_semaphore, #tpu.memory_space<semaphore_mem>>
    %dma_start3A_33 = tpu.memref_squeeze %dma_start3A_32 : memref<1x1x!tpu.dma_semaphore, #tpu.memory_space<semaphore_mem>> -> memref<!tpu.dma_semaphore, #tpu.memory_space<semaphore_mem>>
    tpu.enqueue_indirect_dma source(%dma_start3A_31 : memref<507904x128xf32, #tpu.memory_space<hbm>>) target(%dma_start3A_25 : memref<128x128xf32, #tpu.memory_space<vmem>>) offsets(%dma_start3A_28 : memref<128xi32, #tpu.memory_space<vmem>>) semaphore(%dma_start3A_33 : memref<!tpu.dma_semaphore, #tpu.memory_space<semaphore_mem>>)
    %dma_start3A_34 = arith.constant 1 : i32
    %dma_start3A_35 = arith.constant 1 : i32
    %dma_start3A_36 = arith.constant 1 : i32
    %dma_start3A_37 = arith.constant 0 : i32
    %dma_start3A_38 = arith.constant 0 : i32
    %dma_start3A_39 = arith.constant 0 : i32
    %dma_start3A_40 = tpu.memref_slice %arg10[%dma_start3A_35, %dma_start3A_38, %dma_start3A_39] : memref<2x128x128xf32, #tpu.memory_space<vmem>> -> memref<1x128x128xf32, #tpu.memory_space<vmem>>
    %dma_start3A_41 = tpu.memref_squeeze %dma_start3A_40 : memref<1x128x128xf32, #tpu.memory_space<vmem>> -> memref<128x128xf32, #tpu.memory_space<vmem>>
    %dma_start3A_42 = arith.constant 0 : i32
    %dma_start3A_43 = tpu.memref_slice %arg8[%dma_start3A_34, %dma_start3A_42] : memref<4x128xi32, #tpu.memory_space<vmem>> -> memref<1x128xi32, #tpu.memory_space<vmem>>
    %dma_start3A_44 = tpu.memref_squeeze %dma_start3A_43 : memref<1x128xi32, #tpu.memory_space<vmem>> -> memref<128xi32, #tpu.memory_space<vmem>>
    %dma_start3A_45 = arith.constant 0 : i32
    %dma_start3A_46 = arith.constant 0 : i32
    %dma_start3A_47 = tpu.memref_slice %arg2[%dma_start3A_45, %dma_start3A_46] : memref<507904x128xf32, #tpu.memory_space<hbm>> -> memref<507904x128xf32, #tpu.memory_space<hbm>>
    %dma_start3A_48 = tpu.memref_slice %arg12[%dma_start3A_36, %dma_start3A_37] : memref<2x2x!tpu.dma_semaphore, #tpu.memory_space<semaphore_mem>> -> memref<1x1x!tpu.dma_semaphore, #tpu.memory_space<semaphore_mem>>
    %dma_start3A_49 = tpu.memref_squeeze %dma_start3A_48 : memref<1x1x!tpu.dma_semaphore, #tpu.memory_space<semaphore_mem>> -> memref<!tpu.dma_semaphore, #tpu.memory_space<semaphore_mem>>
    tpu.enqueue_indirect_dma source(%dma_start3A_47 : memref<507904x128xf32, #tpu.memory_space<hbm>>) target(%dma_start3A_41 : memref<128x128xf32, #tpu.memory_space<vmem>>) offsets(%dma_start3A_44 : memref<128xi32, #tpu.memory_space<vmem>>) semaphore(%dma_start3A_49 : memref<!tpu.dma_semaphore, #tpu.memory_space<semaphore_mem>>)
    %dma_start3A_50 = arith.constant 1 : i32
    %dma_start3A_51 = arith.constant 1 : i32
    %dma_start3A_52 = arith.constant 1 : i32
    %dma_start3A_53 = arith.constant 1 : i32
    %dma_start3A_54 = arith.constant 0 : i32
    %dma_start3A_55 = arith.constant 0 : i32
    %dma_start3A_56 = tpu.memref_slice %arg11[%dma_start3A_51, %dma_start3A_54, %dma_start3A_55] : memref<2x128x128xf32, #tpu.memory_space<vmem>> -> memref<1x128x128xf32, #tpu.memory_space<vmem>>
    %dma_start3A_57 = tpu.memref_squeeze %dma_start3A_56 : memref<1x128x128xf32, #tpu.memory_space<vmem>> -> memref<128x128xf32, #tpu.memory_space<vmem>>
    %dma_start3A_58 = arith.constant 0 : i32
    %dma_start3A_59 = tpu.memref_slice %arg9[%dma_start3A_50, %dma_start3A_58] : memref<4x128xi32, #tpu.memory_space<vmem>> -> memref<1x128xi32, #tpu.memory_space<vmem>>
    %dma_start3A_60 = tpu.memref_squeeze %dma_start3A_59 : memref<1x128xi32, #tpu.memory_space<vmem>> -> memref<128xi32, #tpu.memory_space<vmem>>
    %dma_start3A_61 = arith.constant 0 : i32
    %dma_start3A_62 = arith.constant 0 : i32
    %dma_start3A_63 = tpu.memref_slice %arg3[%dma_start3A_61, %dma_start3A_62] : memref<507904x128xf32, #tpu.memory_space<hbm>> -> memref<507904x128xf32, #tpu.memory_space<hbm>>
    %dma_start3A_64 = tpu.memref_slice %arg12[%dma_start3A_52, %dma_start3A_53] : memref<2x2x!tpu.dma_semaphore, #tpu.memory_space<semaphore_mem>> -> memref<1x1x!tpu.dma_semaphore, #tpu.memory_space<semaphore_mem>>
    %dma_start3A_65 = tpu.memref_squeeze %dma_start3A_64 : memref<1x1x!tpu.dma_semaphore, #tpu.memory_space<semaphore_mem>> -> memref<!tpu.dma_semaphore, #tpu.memory_space<semaphore_mem>>
    tpu.enqueue_indirect_dma source(%dma_start3A_63 : memref<507904x128xf32, #tpu.memory_space<hbm>>) target(%dma_start3A_57 : memref<128x128xf32, #tpu.memory_space<vmem>>) offsets(%dma_start3A_60 : memref<128xi32, #tpu.memory_space<vmem>>) semaphore(%dma_start3A_65 : memref<!tpu.dma_semaphore, #tpu.memory_space<semaphore_mem>>)
    %dma_wait3A = arith.constant 0 : i32
    %dma_wait3A_66 = arith.constant 0 : i32
    %dma_wait3A_67 = arith.constant 0 : i32
    %dma_wait3A_68 = arith.constant 0 : i32
    %dma_wait3A_69 = arith.constant 0 : i32
    %dma_wait3A_70 = arith.constant 0 : i32
    %dma_wait3A_71 = tpu.memref_slice %arg10[%dma_wait3A_66, %dma_wait3A_69, %dma_wait3A_70] : memref<2x128x128xf32, #tpu.memory_space<vmem>> -> memref<1x128x128xf32, #tpu.memory_space<vmem>>
    %dma_wait3A_72 = tpu.memref_squeeze %dma_wait3A_71 : memref<1x128x128xf32, #tpu.memory_space<vmem>> -> memref<128x128xf32, #tpu.memory_space<vmem>>
    %dma_wait3A_73 = arith.constant 0 : i32
    %dma_wait3A_74 = tpu.memref_slice %arg8[%dma_wait3A, %dma_wait3A_73] : memref<4x128xi32, #tpu.memory_space<vmem>> -> memref<1x128xi32, #tpu.memory_space<vmem>>
    %dma_wait3A_75 = tpu.memref_squeeze %dma_wait3A_74 : memref<1x128xi32, #tpu.memory_space<vmem>> -> memref<128xi32, #tpu.memory_space<vmem>>
    %dma_wait3A_76 = arith.constant 0 : i32
    %dma_wait3A_77 = arith.constant 0 : i32
    %dma_wait3A_78 = tpu.memref_slice %arg2[%dma_wait3A_76, %dma_wait3A_77] : memref<507904x128xf32, #tpu.memory_space<hbm>> -> memref<507904x128xf32, #tpu.memory_space<hbm>>
    %dma_wait3A_79 = tpu.memref_slice %arg12[%dma_wait3A_67, %dma_wait3A_68] : memref<2x2x!tpu.dma_semaphore, #tpu.memory_space<semaphore_mem>> -> memref<1x1x!tpu.dma_semaphore, #tpu.memory_space<semaphore_mem>>
    %dma_wait3A_80 = tpu.memref_squeeze %dma_wait3A_79 : memref<1x1x!tpu.dma_semaphore, #tpu.memory_space<semaphore_mem>> -> memref<!tpu.dma_semaphore, #tpu.memory_space<semaphore_mem>>
    tpu.wait_indirect_dma semaphore(%dma_wait3A_80 : memref<!tpu.dma_semaphore, #tpu.memory_space<semaphore_mem>>) src(%dma_wait3A_78 : memref<507904x128xf32, #tpu.memory_space<hbm>>) dst(%dma_wait3A_72 : memref<128x128xf32, #tpu.memory_space<vmem>>)
    %dma_wait3A_81 = arith.constant 0 : i32
    %dma_wait3A_82 = arith.constant 0 : i32
    %dma_wait3A_83 = arith.constant 0 : i32
    %dma_wait3A_84 = arith.constant 1 : i32
    %dma_wait3A_85 = arith.constant 0 : i32
    %dma_wait3A_86 = arith.constant 0 : i32
    %dma_wait3A_87 = tpu.memref_slice %arg11[%dma_wait3A_82, %dma_wait3A_85, %dma_wait3A_86] : memref<2x128x128xf32, #tpu.memory_space<vmem>> -> memref<1x128x128xf32, #tpu.memory_space<vmem>>
    %dma_wait3A_88 = tpu.memref_squeeze %dma_wait3A_87 : memref<1x128x128xf32, #tpu.memory_space<vmem>> -> memref<128x128xf32, #tpu.memory_space<vmem>>
    %dma_wait3A_89 = arith.constant 0 : i32
    %dma_wait3A_90 = tpu.memref_slice %arg9[%dma_wait3A_81, %dma_wait3A_89] : memref<4x128xi32, #tpu.memory_space<vmem>> -> memref<1x128xi32, #tpu.memory_space<vmem>>
    %dma_wait3A_91 = tpu.memref_squeeze %dma_wait3A_90 : memref<1x128xi32, #tpu.memory_space<vmem>> -> memref<128xi32, #tpu.memory_space<vmem>>
    %dma_wait3A_92 = arith.constant 0 : i32
    %dma_wait3A_93 = arith.constant 0 : i32
    %dma_wait3A_94 = tpu.memref_slice %arg3[%dma_wait3A_92, %dma_wait3A_93] : memref<507904x128xf32, #tpu.memory_space<hbm>> -> memref<507904x128xf32, #tpu.memory_space<hbm>>
    %dma_wait3A_95 = tpu.memref_slice %arg12[%dma_wait3A_83, %dma_wait3A_84] : memref<2x2x!tpu.dma_semaphore, #tpu.memory_space<semaphore_mem>> -> memref<1x1x!tpu.dma_semaphore, #tpu.memory_space<semaphore_mem>>
    %dma_wait3A_96 = tpu.memref_squeeze %dma_wait3A_95 : memref<1x1x!tpu.dma_semaphore, #tpu.memory_space<semaphore_mem>> -> memref<!tpu.dma_semaphore, #tpu.memory_space<semaphore_mem>>
    tpu.wait_indirect_dma semaphore(%dma_wait3A_96 : memref<!tpu.dma_semaphore, #tpu.memory_space<semaphore_mem>>) src(%dma_wait3A_94 : memref<507904x128xf32, #tpu.memory_space<hbm>>) dst(%dma_wait3A_88 : memref<128x128xf32, #tpu.memory_space<vmem>>)
    %add3A_97 = arith.constant 0 : i32
    %add3A_98 = arith.addi %mul3A_2, %add3A_97 : i32
    %dma_start3A_99 = arith.constant 0 : i32
    %dma_start3A_100 = arith.constant 0 : i32
    %dma_start3A_101 = arith.constant 0 : i32
    %dma_start3A_102 = arith.constant 0 : i32
    %dma_start3A_103 = arith.constant 0 : i32
    %dma_start3A_104 = tpu.memref_slice %arg10[%dma_start3A_99, %dma_start3A_102, %dma_start3A_103] : memref<2x128x128xf32, #tpu.memory_space<vmem>> -> memref<1x128x128xf32, #tpu.memory_space<vmem>>
    %dma_start3A_105 = tpu.memref_squeeze %dma_start3A_104 : memref<1x128x128xf32, #tpu.memory_space<vmem>> -> memref<128x128xf32, #tpu.memory_space<vmem>>
    %dma_start3A_106 = arith.constant 0 : i32
    %dma_start3A_107 = tpu.memref_slice %arg6[%add3A_98, %dma_start3A_106] : memref<16384x128xf32, #tpu.memory_space<hbm>> -> memref<128x128xf32, #tpu.memory_space<hbm>>
    %dma_start3A_108 = tpu.memref_slice %arg13[%dma_start3A_100, %dma_start3A_101] : memref<2x2x!tpu.dma_semaphore, #tpu.memory_space<semaphore_mem>> -> memref<1x1x!tpu.dma_semaphore, #tpu.memory_space<semaphore_mem>>
    %dma_start3A_109 = tpu.memref_squeeze %dma_start3A_108 : memref<1x1x!tpu.dma_semaphore, #tpu.memory_space<semaphore_mem>> -> memref<!tpu.dma_semaphore, #tpu.memory_space<semaphore_mem>>
    %dma_start3A_110 = arith.constant 0 : i32
    %dma_start3A_111 = tpu.memref_slice %arg6[%add3A_98, %dma_start3A_110] : memref<16384x128xf32, #tpu.memory_space<hbm>> -> memref<128x128xf32, #tpu.memory_space<hbm>>
    %dma_start3A_112 = arith.constant 0 : i32
    %dma_start3A_113 = arith.constant 0 : i32
    %dma_start3A_114 = tpu.memref_slice %arg10[%dma_start3A_99, %dma_start3A_112, %dma_start3A_113] : memref<2x128x128xf32, #tpu.memory_space<vmem>> -> memref<1x128x128xf32, #tpu.memory_space<vmem>>
    %dma_start3A_115 = tpu.memref_squeeze %dma_start3A_114 : memref<1x128x128xf32, #tpu.memory_space<vmem>> -> memref<128x128xf32, #tpu.memory_space<vmem>>
    tpu.enqueue_dma source(%dma_start3A_115 : memref<128x128xf32, #tpu.memory_space<vmem>>) target(%dma_start3A_111 : memref<128x128xf32, #tpu.memory_space<hbm>>) target_semaphore(%dma_start3A_109 : memref<!tpu.dma_semaphore, #tpu.memory_space<semaphore_mem>>)
    %dma_start3A_116 = arith.constant 0 : i32
    %dma_start3A_117 = arith.constant 0 : i32
    %dma_start3A_118 = arith.constant 1 : i32
    %dma_start3A_119 = arith.constant 0 : i32
    %dma_start3A_120 = arith.constant 0 : i32
    %dma_start3A_121 = tpu.memref_slice %arg11[%dma_start3A_116, %dma_start3A_119, %dma_start3A_120] : memref<2x128x128xf32, #tpu.memory_space<vmem>> -> memref<1x128x128xf32, #tpu.memory_space<vmem>>
    %dma_start3A_122 = tpu.memref_squeeze %dma_start3A_121 : memref<1x128x128xf32, #tpu.memory_space<vmem>> -> memref<128x128xf32, #tpu.memory_space<vmem>>
    %dma_start3A_123 = arith.constant 0 : i32
    %dma_start3A_124 = tpu.memref_slice %arg7[%add3A_98, %dma_start3A_123] : memref<16384x128xf32, #tpu.memory_space<hbm>> -> memref<128x128xf32, #tpu.memory_space<hbm>>
    %dma_start3A_125 = tpu.memref_slice %arg13[%dma_start3A_117, %dma_start3A_118] : memref<2x2x!tpu.dma_semaphore, #tpu.memory_space<semaphore_mem>> -> memref<1x1x!tpu.dma_semaphore, #tpu.memory_space<semaphore_mem>>
    %dma_start3A_126 = tpu.memref_squeeze %dma_start3A_125 : memref<1x1x!tpu.dma_semaphore, #tpu.memory_space<semaphore_mem>> -> memref<!tpu.dma_semaphore, #tpu.memory_space<semaphore_mem>>
    %dma_start3A_127 = arith.constant 0 : i32
    %dma_start3A_128 = tpu.memref_slice %arg7[%add3A_98, %dma_start3A_127] : memref<16384x128xf32, #tpu.memory_space<hbm>> -> memref<128x128xf32, #tpu.memory_space<hbm>>
    %dma_start3A_129 = arith.constant 0 : i32
    %dma_start3A_130 = arith.constant 0 : i32
    %dma_start3A_131 = tpu.memref_slice %arg11[%dma_start3A_116, %dma_start3A_129, %dma_start3A_130] : memref<2x128x128xf32, #tpu.memory_space<vmem>> -> memref<1x128x128xf32, #tpu.memory_space<vmem>>
    %dma_start3A_132 = tpu.memref_squeeze %dma_start3A_131 : memref<1x128x128xf32, #tpu.memory_space<vmem>> -> memref<128x128xf32, #tpu.memory_space<vmem>>
    tpu.enqueue_dma source(%dma_start3A_132 : memref<128x128xf32, #tpu.memory_space<vmem>>) target(%dma_start3A_128 : memref<128x128xf32, #tpu.memory_space<hbm>>) target_semaphore(%dma_start3A_126 : memref<!tpu.dma_semaphore, #tpu.memory_space<semaphore_mem>>)
    %dma_wait3A_133 = arith.constant 0 : i32
    %dma_wait3A_134 = arith.constant 0 : i32
    %dma_wait3A_135 = arith.constant 0 : i32
    %dma_wait3A_136 = arith.constant 0 : i32
    %dma_wait3A_137 = arith.constant 0 : i32
    %dma_wait3A_138 = tpu.memref_slice %arg10[%dma_wait3A_133, %dma_wait3A_136, %dma_wait3A_137] : memref<2x128x128xf32, #tpu.memory_space<vmem>> -> memref<1x128x128xf32, #tpu.memory_space<vmem>>
    %dma_wait3A_139 = tpu.memref_squeeze %dma_wait3A_138 : memref<1x128x128xf32, #tpu.memory_space<vmem>> -> memref<128x128xf32, #tpu.memory_space<vmem>>
    %dma_wait3A_140 = arith.constant 0 : i32
    %dma_wait3A_141 = tpu.memref_slice %arg6[%add3A_98, %dma_wait3A_140] : memref<16384x128xf32, #tpu.memory_space<hbm>> -> memref<128x128xf32, #tpu.memory_space<hbm>>
    %dma_wait3A_142 = tpu.memref_slice %arg13[%dma_wait3A_134, %dma_wait3A_135] : memref<2x2x!tpu.dma_semaphore, #tpu.memory_space<semaphore_mem>> -> memref<1x1x!tpu.dma_semaphore, #tpu.memory_space<semaphore_mem>>
    %dma_wait3A_143 = tpu.memref_squeeze %dma_wait3A_142 : memref<1x1x!tpu.dma_semaphore, #tpu.memory_space<semaphore_mem>> -> memref<!tpu.dma_semaphore, #tpu.memory_space<semaphore_mem>>
    %dma_wait3A_144 = arith.constant 0 : i32
    %dma_wait3A_145 = tpu.memref_slice %arg6[%add3A_98, %dma_wait3A_144] : memref<16384x128xf32, #tpu.memory_space<hbm>> -> memref<128x128xf32, #tpu.memory_space<hbm>>
    %dma_wait3A_146 = arith.constant 0 : i32
    %dma_wait3A_147 = arith.constant 0 : i32
    %dma_wait3A_148 = tpu.memref_slice %arg10[%dma_wait3A_133, %dma_wait3A_146, %dma_wait3A_147] : memref<2x128x128xf32, #tpu.memory_space<vmem>> -> memref<1x128x128xf32, #tpu.memory_space<vmem>>
    %dma_wait3A_149 = tpu.memref_squeeze %dma_wait3A_148 : memref<1x128x128xf32, #tpu.memory_space<vmem>> -> memref<128x128xf32, #tpu.memory_space<vmem>>
    tpu.wait_dma2 semaphore(%dma_wait3A_143 : memref<!tpu.dma_semaphore, #tpu.memory_space<semaphore_mem>>) src(%dma_wait3A_149 : memref<128x128xf32, #tpu.memory_space<vmem>>) dst(%dma_wait3A_145 : memref<128x128xf32, #tpu.memory_space<hbm>>)
    %dma_wait3A_150 = arith.constant 0 : i32
    %dma_wait3A_151 = arith.constant 0 : i32
    %dma_wait3A_152 = arith.constant 1 : i32
    %dma_wait3A_153 = arith.constant 0 : i32
    %dma_wait3A_154 = arith.constant 0 : i32
    %dma_wait3A_155 = tpu.memref_slice %arg11[%dma_wait3A_150, %dma_wait3A_153, %dma_wait3A_154] : memref<2x128x128xf32, #tpu.memory_space<vmem>> -> memref<1x128x128xf32, #tpu.memory_space<vmem>>
    %dma_wait3A_156 = tpu.memref_squeeze %dma_wait3A_155 : memref<1x128x128xf32, #tpu.memory_space<vmem>> -> memref<128x128xf32, #tpu.memory_space<vmem>>
    %dma_wait3A_157 = arith.constant 0 : i32
    %dma_wait3A_158 = tpu.memref_slice %arg7[%add3A_98, %dma_wait3A_157] : memref<16384x128xf32, #tpu.memory_space<hbm>> -> memref<128x128xf32, #tpu.memory_space<hbm>>
    %dma_wait3A_159 = tpu.memref_slice %arg13[%dma_wait3A_151, %dma_wait3A_152] : memref<2x2x!tpu.dma_semaphore, #tpu.memory_space<semaphore_mem>> -> memref<1x1x!tpu.dma_semaphore, #tpu.memory_space<semaphore_mem>>
    %dma_wait3A_160 = tpu.memref_squeeze %dma_wait3A_159 : memref<1x1x!tpu.dma_semaphore, #tpu.memory_space<semaphore_mem>> -> memref<!tpu.dma_semaphore, #tpu.memory_space<semaphore_mem>>
    %dma_wait3A_161 = arith.constant 0 : i32
    %dma_wait3A_162 = tpu.memref_slice %arg7[%add3A_98, %dma_wait3A_161] : memref<16384x128xf32, #tpu.memory_space<hbm>> -> memref<128x128xf32, #tpu.memory_space<hbm>>
    %dma_wait3A_163 = arith.constant 0 : i32
    %dma_wait3A_164 = arith.constant 0 : i32
    %dma_wait3A_165 = tpu.memref_slice %arg11[%dma_wait3A_150, %dma_wait3A_163, %dma_wait3A_164] : memref<2x128x128xf32, #tpu.memory_space<vmem>> -> memref<1x128x128xf32, #tpu.memory_space<vmem>>
    %dma_wait3A_166 = tpu.memref_squeeze %dma_wait3A_165 : memref<1x128x128xf32, #tpu.memory_space<vmem>> -> memref<128x128xf32, #tpu.memory_space<vmem>>
    tpu.wait_dma2 semaphore(%dma_wait3A_160 : memref<!tpu.dma_semaphore, #tpu.memory_space<semaphore_mem>>) src(%dma_wait3A_166 : memref<128x128xf32, #tpu.memory_space<vmem>>) dst(%dma_wait3A_162 : memref<128x128xf32, #tpu.memory_space<hbm>>)
    %dma_start3A_167 = arith.constant 2 : i32
    %dma_start3A_168 = arith.constant 0 : i32
    %dma_start3A_169 = arith.constant 0 : i32
    %dma_start3A_170 = arith.constant 0 : i32
    %dma_start3A_171 = arith.constant 0 : i32
    %dma_start3A_172 = arith.constant 0 : i32
    %dma_start3A_173 = tpu.memref_slice %arg10[%dma_start3A_168, %dma_start3A_171, %dma_start3A_172] : memref<2x128x128xf32, #tpu.memory_space<vmem>> -> memref<1x128x128xf32, #tpu.memory_space<vmem>>
    %dma_start3A_174 = tpu.memref_squeeze %dma_start3A_173 : memref<1x128x128xf32, #tpu.memory_space<vmem>> -> memref<128x128xf32, #tpu.memory_space<vmem>>
    %dma_start3A_175 = arith.constant 0 : i32
    %dma_start3A_176 = tpu.memref_slice %arg8[%dma_start3A_167, %dma_start3A_175] : memref<4x128xi32, #tpu.memory_space<vmem>> -> memref<1x128xi32, #tpu.memory_space<vmem>>
    %dma_start3A_177 = tpu.memref_squeeze %dma_start3A_176 : memref<1x128xi32, #tpu.memory_space<vmem>> -> memref<128xi32, #tpu.memory_space<vmem>>
    %dma_start3A_178 = arith.constant 0 : i32
    %dma_start3A_179 = arith.constant 0 : i32
    %dma_start3A_180 = tpu.memref_slice %arg2[%dma_start3A_178, %dma_start3A_179] : memref<507904x128xf32, #tpu.memory_space<hbm>> -> memref<507904x128xf32, #tpu.memory_space<hbm>>
    %dma_start3A_181 = tpu.memref_slice %arg12[%dma_start3A_169, %dma_start3A_170] : memref<2x2x!tpu.dma_semaphore, #tpu.memory_space<semaphore_mem>> -> memref<1x1x!tpu.dma_semaphore, #tpu.memory_space<semaphore_mem>>
    %dma_start3A_182 = tpu.memref_squeeze %dma_start3A_181 : memref<1x1x!tpu.dma_semaphore, #tpu.memory_space<semaphore_mem>> -> memref<!tpu.dma_semaphore, #tpu.memory_space<semaphore_mem>>
    tpu.enqueue_indirect_dma source(%dma_start3A_180 : memref<507904x128xf32, #tpu.memory_space<hbm>>) target(%dma_start3A_174 : memref<128x128xf32, #tpu.memory_space<vmem>>) offsets(%dma_start3A_177 : memref<128xi32, #tpu.memory_space<vmem>>) semaphore(%dma_start3A_182 : memref<!tpu.dma_semaphore, #tpu.memory_space<semaphore_mem>>)
    %dma_start3A_183 = arith.constant 2 : i32
    %dma_start3A_184 = arith.constant 0 : i32
    %dma_start3A_185 = arith.constant 0 : i32
    %dma_start3A_186 = arith.constant 1 : i32
    %dma_start3A_187 = arith.constant 0 : i32
    %dma_start3A_188 = arith.constant 0 : i32
    %dma_start3A_189 = tpu.memref_slice %arg11[%dma_start3A_184, %dma_start3A_187, %dma_start3A_188] : memref<2x128x128xf32, #tpu.memory_space<vmem>> -> memref<1x128x128xf32, #tpu.memory_space<vmem>>
    %dma_start3A_190 = tpu.memref_squeeze %dma_start3A_189 : memref<1x128x128xf32, #tpu.memory_space<vmem>> -> memref<128x128xf32, #tpu.memory_space<vmem>>
    %dma_start3A_191 = arith.constant 0 : i32
    %dma_start3A_192 = tpu.memref_slice %arg9[%dma_start3A_183, %dma_start3A_191] : memref<4x128xi32, #tpu.memory_space<vmem>> -> memref<1x128xi32, #tpu.memory_space<vmem>>
    %dma_start3A_193 = tpu.memref_squeeze %dma_start3A_192 : memref<1x128xi32, #tpu.memory_space<vmem>> -> memref<128xi32, #tpu.memory_space<vmem>>
    %dma_start3A_194 = arith.constant 0 : i32
    %dma_start3A_195 = arith.constant 0 : i32
    %dma_start3A_196 = tpu.memref_slice %arg3[%dma_start3A_194, %dma_start3A_195] : memref<507904x128xf32, #tpu.memory_space<hbm>> -> memref<507904x128xf32, #tpu.memory_space<hbm>>
    %dma_start3A_197 = tpu.memref_slice %arg12[%dma_start3A_185, %dma_start3A_186] : memref<2x2x!tpu.dma_semaphore, #tpu.memory_space<semaphore_mem>> -> memref<1x1x!tpu.dma_semaphore, #tpu.memory_space<semaphore_mem>>
    %dma_start3A_198 = tpu.memref_squeeze %dma_start3A_197 : memref<1x1x!tpu.dma_semaphore, #tpu.memory_space<semaphore_mem>> -> memref<!tpu.dma_semaphore, #tpu.memory_space<semaphore_mem>>
    tpu.enqueue_indirect_dma source(%dma_start3A_196 : memref<507904x128xf32, #tpu.memory_space<hbm>>) target(%dma_start3A_190 : memref<128x128xf32, #tpu.memory_space<vmem>>) offsets(%dma_start3A_193 : memref<128xi32, #tpu.memory_space<vmem>>) semaphore(%dma_start3A_198 : memref<!tpu.dma_semaphore, #tpu.memory_space<semaphore_mem>>)
    %dma_wait3A_199 = arith.constant 1 : i32
    %dma_wait3A_200 = arith.constant 1 : i32
    %dma_wait3A_201 = arith.constant 1 : i32
    %dma_wait3A_202 = arith.constant 0 : i32
    %dma_wait3A_203 = arith.constant 0 : i32
    %dma_wait3A_204 = arith.constant 0 : i32
    %dma_wait3A_205 = tpu.memref_slice %arg10[%dma_wait3A_200, %dma_wait3A_203, %dma_wait3A_204] : memref<2x128x128xf32, #tpu.memory_space<vmem>> -> memref<1x128x128xf32, #tpu.memory_space<vmem>>
    %dma_wait3A_206 = tpu.memref_squeeze %dma_wait3A_205 : memref<1x128x128xf32, #tpu.memory_space<vmem>> -> memref<128x128xf32, #tpu.memory_space<vmem>>
    %dma_wait3A_207 = arith.constant 0 : i32
    %dma_wait3A_208 = tpu.memref_slice %arg8[%dma_wait3A_199, %dma_wait3A_207] : memref<4x128xi32, #tpu.memory_space<vmem>> -> memref<1x128xi32, #tpu.memory_space<vmem>>
    %dma_wait3A_209 = tpu.memref_squeeze %dma_wait3A_208 : memref<1x128xi32, #tpu.memory_space<vmem>> -> memref<128xi32, #tpu.memory_space<vmem>>
    %dma_wait3A_210 = arith.constant 0 : i32
    %dma_wait3A_211 = arith.constant 0 : i32
    %dma_wait3A_212 = tpu.memref_slice %arg2[%dma_wait3A_210, %dma_wait3A_211] : memref<507904x128xf32, #tpu.memory_space<hbm>> -> memref<507904x128xf32, #tpu.memory_space<hbm>>
    %dma_wait3A_213 = tpu.memref_slice %arg12[%dma_wait3A_201, %dma_wait3A_202] : memref<2x2x!tpu.dma_semaphore, #tpu.memory_space<semaphore_mem>> -> memref<1x1x!tpu.dma_semaphore, #tpu.memory_space<semaphore_mem>>
    %dma_wait3A_214 = tpu.memref_squeeze %dma_wait3A_213 : memref<1x1x!tpu.dma_semaphore, #tpu.memory_space<semaphore_mem>> -> memref<!tpu.dma_semaphore, #tpu.memory_space<semaphore_mem>>
    tpu.wait_indirect_dma semaphore(%dma_wait3A_214 : memref<!tpu.dma_semaphore, #tpu.memory_space<semaphore_mem>>) src(%dma_wait3A_212 : memref<507904x128xf32, #tpu.memory_space<hbm>>) dst(%dma_wait3A_206 : memref<128x128xf32, #tpu.memory_space<vmem>>)
    %dma_wait3A_215 = arith.constant 1 : i32
    %dma_wait3A_216 = arith.constant 1 : i32
    %dma_wait3A_217 = arith.constant 1 : i32
    %dma_wait3A_218 = arith.constant 1 : i32
    %dma_wait3A_219 = arith.constant 0 : i32
    %dma_wait3A_220 = arith.constant 0 : i32
    %dma_wait3A_221 = tpu.memref_slice %arg11[%dma_wait3A_216, %dma_wait3A_219, %dma_wait3A_220] : memref<2x128x128xf32, #tpu.memory_space<vmem>> -> memref<1x128x128xf32, #tpu.memory_space<vmem>>
    %dma_wait3A_222 = tpu.memref_squeeze %dma_wait3A_221 : memref<1x128x128xf32, #tpu.memory_space<vmem>> -> memref<128x128xf32, #tpu.memory_space<vmem>>
    %dma_wait3A_223 = arith.constant 0 : i32
    %dma_wait3A_224 = tpu.memref_slice %arg9[%dma_wait3A_215, %dma_wait3A_223] : memref<4x128xi32, #tpu.memory_space<vmem>> -> memref<1x128xi32, #tpu.memory_space<vmem>>
    %dma_wait3A_225 = tpu.memref_squeeze %dma_wait3A_224 : memref<1x128xi32, #tpu.memory_space<vmem>> -> memref<128xi32, #tpu.memory_space<vmem>>
    %dma_wait3A_226 = arith.constant 0 : i32
    %dma_wait3A_227 = arith.constant 0 : i32
    %dma_wait3A_228 = tpu.memref_slice %arg3[%dma_wait3A_226, %dma_wait3A_227] : memref<507904x128xf32, #tpu.memory_space<hbm>> -> memref<507904x128xf32, #tpu.memory_space<hbm>>
    %dma_wait3A_229 = tpu.memref_slice %arg12[%dma_wait3A_217, %dma_wait3A_218] : memref<2x2x!tpu.dma_semaphore, #tpu.memory_space<semaphore_mem>> -> memref<1x1x!tpu.dma_semaphore, #tpu.memory_space<semaphore_mem>>
    %dma_wait3A_230 = tpu.memref_squeeze %dma_wait3A_229 : memref<1x1x!tpu.dma_semaphore, #tpu.memory_space<semaphore_mem>> -> memref<!tpu.dma_semaphore, #tpu.memory_space<semaphore_mem>>
    tpu.wait_indirect_dma semaphore(%dma_wait3A_230 : memref<!tpu.dma_semaphore, #tpu.memory_space<semaphore_mem>>) src(%dma_wait3A_228 : memref<507904x128xf32, #tpu.memory_space<hbm>>) dst(%dma_wait3A_222 : memref<128x128xf32, #tpu.memory_space<vmem>>)
    %add3A_231 = arith.constant 128 : i32
    %add3A_232 = arith.addi %mul3A_2, %add3A_231 : i32
    %dma_start3A_233 = arith.constant 1 : i32
    %dma_start3A_234 = arith.constant 1 : i32
    %dma_start3A_235 = arith.constant 0 : i32
    %dma_start3A_236 = arith.constant 0 : i32
    %dma_start3A_237 = arith.constant 0 : i32
    %dma_start3A_238 = tpu.memref_slice %arg10[%dma_start3A_233, %dma_start3A_236, %dma_start3A_237] : memref<2x128x128xf32, #tpu.memory_space<vmem>> -> memref<1x128x128xf32, #tpu.memory_space<vmem>>
    %dma_start3A_239 = tpu.memref_squeeze %dma_start3A_238 : memref<1x128x128xf32, #tpu.memory_space<vmem>> -> memref<128x128xf32, #tpu.memory_space<vmem>>
    %dma_start3A_240 = arith.constant 0 : i32
    %dma_start3A_241 = tpu.memref_slice %arg6[%add3A_232, %dma_start3A_240] : memref<16384x128xf32, #tpu.memory_space<hbm>> -> memref<128x128xf32, #tpu.memory_space<hbm>>
    %dma_start3A_242 = tpu.memref_slice %arg13[%dma_start3A_234, %dma_start3A_235] : memref<2x2x!tpu.dma_semaphore, #tpu.memory_space<semaphore_mem>> -> memref<1x1x!tpu.dma_semaphore, #tpu.memory_space<semaphore_mem>>
    %dma_start3A_243 = tpu.memref_squeeze %dma_start3A_242 : memref<1x1x!tpu.dma_semaphore, #tpu.memory_space<semaphore_mem>> -> memref<!tpu.dma_semaphore, #tpu.memory_space<semaphore_mem>>
    %dma_start3A_244 = arith.constant 0 : i32
    %dma_start3A_245 = tpu.memref_slice %arg6[%add3A_232, %dma_start3A_244] : memref<16384x128xf32, #tpu.memory_space<hbm>> -> memref<128x128xf32, #tpu.memory_space<hbm>>
    %dma_start3A_246 = arith.constant 0 : i32
    %dma_start3A_247 = arith.constant 0 : i32
    %dma_start3A_248 = tpu.memref_slice %arg10[%dma_start3A_233, %dma_start3A_246, %dma_start3A_247] : memref<2x128x128xf32, #tpu.memory_space<vmem>> -> memref<1x128x128xf32, #tpu.memory_space<vmem>>
    %dma_start3A_249 = tpu.memref_squeeze %dma_start3A_248 : memref<1x128x128xf32, #tpu.memory_space<vmem>> -> memref<128x128xf32, #tpu.memory_space<vmem>>
    tpu.enqueue_dma source(%dma_start3A_249 : memref<128x128xf32, #tpu.memory_space<vmem>>) target(%dma_start3A_245 : memref<128x128xf32, #tpu.memory_space<hbm>>) target_semaphore(%dma_start3A_243 : memref<!tpu.dma_semaphore, #tpu.memory_space<semaphore_mem>>)
    %dma_start3A_250 = arith.constant 1 : i32
    %dma_start3A_251 = arith.constant 1 : i32
    %dma_start3A_252 = arith.constant 1 : i32
    %dma_start3A_253 = arith.constant 0 : i32
    %dma_start3A_254 = arith.constant 0 : i32
    %dma_start3A_255 = tpu.memref_slice %arg11[%dma_start3A_250, %dma_start3A_253, %dma_start3A_254] : memref<2x128x128xf32, #tpu.memory_space<vmem>> -> memref<1x128x128xf32, #tpu.memory_space<vmem>>
    %dma_start3A_256 = tpu.memref_squeeze %dma_start3A_255 : memref<1x128x128xf32, #tpu.memory_space<vmem>> -> memref<128x128xf32, #tpu.memory_space<vmem>>
    %dma_start3A_257 = arith.constant 0 : i32
    %dma_start3A_258 = tpu.memref_slice %arg7[%add3A_232, %dma_start3A_257] : memref<16384x128xf32, #tpu.memory_space<hbm>> -> memref<128x128xf32, #tpu.memory_space<hbm>>
    %dma_start3A_259 = tpu.memref_slice %arg13[%dma_start3A_251, %dma_start3A_252] : memref<2x2x!tpu.dma_semaphore, #tpu.memory_space<semaphore_mem>> -> memref<1x1x!tpu.dma_semaphore, #tpu.memory_space<semaphore_mem>>
    %dma_start3A_260 = tpu.memref_squeeze %dma_start3A_259 : memref<1x1x!tpu.dma_semaphore, #tpu.memory_space<semaphore_mem>> -> memref<!tpu.dma_semaphore, #tpu.memory_space<semaphore_mem>>
    %dma_start3A_261 = arith.constant 0 : i32
    %dma_start3A_262 = tpu.memref_slice %arg7[%add3A_232, %dma_start3A_261] : memref<16384x128xf32, #tpu.memory_space<hbm>> -> memref<128x128xf32, #tpu.memory_space<hbm>>
    %dma_start3A_263 = arith.constant 0 : i32
    %dma_start3A_264 = arith.constant 0 : i32
    %dma_start3A_265 = tpu.memref_slice %arg11[%dma_start3A_250, %dma_start3A_263, %dma_start3A_264] : memref<2x128x128xf32, #tpu.memory_space<vmem>> -> memref<1x128x128xf32, #tpu.memory_space<vmem>>
    %dma_start3A_266 = tpu.memref_squeeze %dma_start3A_265 : memref<1x128x128xf32, #tpu.memory_space<vmem>> -> memref<128x128xf32, #tpu.memory_space<vmem>>
    tpu.enqueue_dma source(%dma_start3A_266 : memref<128x128xf32, #tpu.memory_space<vmem>>) target(%dma_start3A_262 : memref<128x128xf32, #tpu.memory_space<hbm>>) target_semaphore(%dma_start3A_260 : memref<!tpu.dma_semaphore, #tpu.memory_space<semaphore_mem>>)
    %dma_wait3A_267 = arith.constant 1 : i32
    %dma_wait3A_268 = arith.constant 1 : i32
    %dma_wait3A_269 = arith.constant 0 : i32
    %dma_wait3A_270 = arith.constant 0 : i32
    %dma_wait3A_271 = arith.constant 0 : i32
    %dma_wait3A_272 = tpu.memref_slice %arg10[%dma_wait3A_267, %dma_wait3A_270, %dma_wait3A_271] : memref<2x128x128xf32, #tpu.memory_space<vmem>> -> memref<1x128x128xf32, #tpu.memory_space<vmem>>
    %dma_wait3A_273 = tpu.memref_squeeze %dma_wait3A_272 : memref<1x128x128xf32, #tpu.memory_space<vmem>> -> memref<128x128xf32, #tpu.memory_space<vmem>>
    %dma_wait3A_274 = arith.constant 0 : i32
    %dma_wait3A_275 = tpu.memref_slice %arg6[%add3A_232, %dma_wait3A_274] : memref<16384x128xf32, #tpu.memory_space<hbm>> -> memref<128x128xf32, #tpu.memory_space<hbm>>
    %dma_wait3A_276 = tpu.memref_slice %arg13[%dma_wait3A_268, %dma_wait3A_269] : memref<2x2x!tpu.dma_semaphore, #tpu.memory_space<semaphore_mem>> -> memref<1x1x!tpu.dma_semaphore, #tpu.memory_space<semaphore_mem>>
    %dma_wait3A_277 = tpu.memref_squeeze %dma_wait3A_276 : memref<1x1x!tpu.dma_semaphore, #tpu.memory_space<semaphore_mem>> -> memref<!tpu.dma_semaphore, #tpu.memory_space<semaphore_mem>>
    %dma_wait3A_278 = arith.constant 0 : i32
    %dma_wait3A_279 = tpu.memref_slice %arg6[%add3A_232, %dma_wait3A_278] : memref<16384x128xf32, #tpu.memory_space<hbm>> -> memref<128x128xf32, #tpu.memory_space<hbm>>
    %dma_wait3A_280 = arith.constant 0 : i32
    %dma_wait3A_281 = arith.constant 0 : i32
    %dma_wait3A_282 = tpu.memref_slice %arg10[%dma_wait3A_267, %dma_wait3A_280, %dma_wait3A_281] : memref<2x128x128xf32, #tpu.memory_space<vmem>> -> memref<1x128x128xf32, #tpu.memory_space<vmem>>
    %dma_wait3A_283 = tpu.memref_squeeze %dma_wait3A_282 : memref<1x128x128xf32, #tpu.memory_space<vmem>> -> memref<128x128xf32, #tpu.memory_space<vmem>>
    tpu.wait_dma2 semaphore(%dma_wait3A_277 : memref<!tpu.dma_semaphore, #tpu.memory_space<semaphore_mem>>) src(%dma_wait3A_283 : memref<128x128xf32, #tpu.memory_space<vmem>>) dst(%dma_wait3A_279 : memref<128x128xf32, #tpu.memory_space<hbm>>)
    %dma_wait3A_284 = arith.constant 1 : i32
    %dma_wait3A_285 = arith.constant 1 : i32
    %dma_wait3A_286 = arith.constant 1 : i32
    %dma_wait3A_287 = arith.constant 0 : i32
    %dma_wait3A_288 = arith.constant 0 : i32
    %dma_wait3A_289 = tpu.memref_slice %arg11[%dma_wait3A_284, %dma_wait3A_287, %dma_wait3A_288] : memref<2x128x128xf32, #tpu.memory_space<vmem>> -> memref<1x128x128xf32, #tpu.memory_space<vmem>>
    %dma_wait3A_290 = tpu.memref_squeeze %dma_wait3A_289 : memref<1x128x128xf32, #tpu.memory_space<vmem>> -> memref<128x128xf32, #tpu.memory_space<vmem>>
    %dma_wait3A_291 = arith.constant 0 : i32
    %dma_wait3A_292 = tpu.memref_slice %arg7[%add3A_232, %dma_wait3A_291] : memref<16384x128xf32, #tpu.memory_space<hbm>> -> memref<128x128xf32, #tpu.memory_space<hbm>>
    %dma_wait3A_293 = tpu.memref_slice %arg13[%dma_wait3A_285, %dma_wait3A_286] : memref<2x2x!tpu.dma_semaphore, #tpu.memory_space<semaphore_mem>> -> memref<1x1x!tpu.dma_semaphore, #tpu.memory_space<semaphore_mem>>
    %dma_wait3A_294 = tpu.memref_squeeze %dma_wait3A_293 : memref<1x1x!tpu.dma_semaphore, #tpu.memory_space<semaphore_mem>> -> memref<!tpu.dma_semaphore, #tpu.memory_space<semaphore_mem>>
    %dma_wait3A_295 = arith.constant 0 : i32
    %dma_wait3A_296 = tpu.memref_slice %arg7[%add3A_232, %dma_wait3A_295] : memref<16384x128xf32, #tpu.memory_space<hbm>> -> memref<128x128xf32, #tpu.memory_space<hbm>>
    %dma_wait3A_297 = arith.constant 0 : i32
    %dma_wait3A_298 = arith.constant 0 : i32
    %dma_wait3A_299 = tpu.memref_slice %arg11[%dma_wait3A_284, %dma_wait3A_297, %dma_wait3A_298] : memref<2x128x128xf32, #tpu.memory_space<vmem>> -> memref<1x128x128xf32, #tpu.memory_space<vmem>>
    %dma_wait3A_300 = tpu.memref_squeeze %dma_wait3A_299 : memref<1x128x128xf32, #tpu.memory_space<vmem>> -> memref<128x128xf32, #tpu.memory_space<vmem>>
    tpu.wait_dma2 semaphore(%dma_wait3A_294 : memref<!tpu.dma_semaphore, #tpu.memory_space<semaphore_mem>>) src(%dma_wait3A_300 : memref<128x128xf32, #tpu.memory_space<vmem>>) dst(%dma_wait3A_296 : memref<128x128xf32, #tpu.memory_space<hbm>>)
    %dma_start3A_301 = arith.constant 3 : i32
    %dma_start3A_302 = arith.constant 1 : i32
    %dma_start3A_303 = arith.constant 1 : i32
    %dma_start3A_304 = arith.constant 0 : i32
    %dma_start3A_305 = arith.constant 0 : i32
    %dma_start3A_306 = arith.constant 0 : i32
    %dma_start3A_307 = tpu.memref_slice %arg10[%dma_start3A_302, %dma_start3A_305, %dma_start3A_306] : memref<2x128x128xf32, #tpu.memory_space<vmem>> -> memref<1x128x128xf32, #tpu.memory_space<vmem>>
    %dma_start3A_308 = tpu.memref_squeeze %dma_start3A_307 : memref<1x128x128xf32, #tpu.memory_space<vmem>> -> memref<128x128xf32, #tpu.memory_space<vmem>>
    %dma_start3A_309 = arith.constant 0 : i32
    %dma_start3A_310 = tpu.memref_slice %arg8[%dma_start3A_301, %dma_start3A_309] : memref<4x128xi32, #tpu.memory_space<vmem>> -> memref<1x128xi32, #tpu.memory_space<vmem>>
    %dma_start3A_311 = tpu.memref_squeeze %dma_start3A_310 : memref<1x128xi32, #tpu.memory_space<vmem>> -> memref<128xi32, #tpu.memory_space<vmem>>
    %dma_start3A_312 = arith.constant 0 : i32
    %dma_start3A_313 = arith.constant 0 : i32
    %dma_start3A_314 = tpu.memref_slice %arg2[%dma_start3A_312, %dma_start3A_313] : memref<507904x128xf32, #tpu.memory_space<hbm>> -> memref<507904x128xf32, #tpu.memory_space<hbm>>
    %dma_start3A_315 = tpu.memref_slice %arg12[%dma_start3A_303, %dma_start3A_304] : memref<2x2x!tpu.dma_semaphore, #tpu.memory_space<semaphore_mem>> -> memref<1x1x!tpu.dma_semaphore, #tpu.memory_space<semaphore_mem>>
    %dma_start3A_316 = tpu.memref_squeeze %dma_start3A_315 : memref<1x1x!tpu.dma_semaphore, #tpu.memory_space<semaphore_mem>> -> memref<!tpu.dma_semaphore, #tpu.memory_space<semaphore_mem>>
    tpu.enqueue_indirect_dma source(%dma_start3A_314 : memref<507904x128xf32, #tpu.memory_space<hbm>>) target(%dma_start3A_308 : memref<128x128xf32, #tpu.memory_space<vmem>>) offsets(%dma_start3A_311 : memref<128xi32, #tpu.memory_space<vmem>>) semaphore(%dma_start3A_316 : memref<!tpu.dma_semaphore, #tpu.memory_space<semaphore_mem>>)
    %dma_start3A_317 = arith.constant 3 : i32
    %dma_start3A_318 = arith.constant 1 : i32
    %dma_start3A_319 = arith.constant 1 : i32
    %dma_start3A_320 = arith.constant 1 : i32
    %dma_start3A_321 = arith.constant 0 : i32
    %dma_start3A_322 = arith.constant 0 : i32
    %dma_start3A_323 = tpu.memref_slice %arg11[%dma_start3A_318, %dma_start3A_321, %dma_start3A_322] : memref<2x128x128xf32, #tpu.memory_space<vmem>> -> memref<1x128x128xf32, #tpu.memory_space<vmem>>
    %dma_start3A_324 = tpu.memref_squeeze %dma_start3A_323 : memref<1x128x128xf32, #tpu.memory_space<vmem>> -> memref<128x128xf32, #tpu.memory_space<vmem>>
    %dma_start3A_325 = arith.constant 0 : i32
    %dma_start3A_326 = tpu.memref_slice %arg9[%dma_start3A_317, %dma_start3A_325] : memref<4x128xi32, #tpu.memory_space<vmem>> -> memref<1x128xi32, #tpu.memory_space<vmem>>
    %dma_start3A_327 = tpu.memref_squeeze %dma_start3A_326 : memref<1x128xi32, #tpu.memory_space<vmem>> -> memref<128xi32, #tpu.memory_space<vmem>>
    %dma_start3A_328 = arith.constant 0 : i32
    %dma_start3A_329 = arith.constant 0 : i32
    %dma_start3A_330 = tpu.memref_slice %arg3[%dma_start3A_328, %dma_start3A_329] : memref<507904x128xf32, #tpu.memory_space<hbm>> -> memref<507904x128xf32, #tpu.memory_space<hbm>>
    %dma_start3A_331 = tpu.memref_slice %arg12[%dma_start3A_319, %dma_start3A_320] : memref<2x2x!tpu.dma_semaphore, #tpu.memory_space<semaphore_mem>> -> memref<1x1x!tpu.dma_semaphore, #tpu.memory_space<semaphore_mem>>
    %dma_start3A_332 = tpu.memref_squeeze %dma_start3A_331 : memref<1x1x!tpu.dma_semaphore, #tpu.memory_space<semaphore_mem>> -> memref<!tpu.dma_semaphore, #tpu.memory_space<semaphore_mem>>
    tpu.enqueue_indirect_dma source(%dma_start3A_330 : memref<507904x128xf32, #tpu.memory_space<hbm>>) target(%dma_start3A_324 : memref<128x128xf32, #tpu.memory_space<vmem>>) offsets(%dma_start3A_327 : memref<128xi32, #tpu.memory_space<vmem>>) semaphore(%dma_start3A_332 : memref<!tpu.dma_semaphore, #tpu.memory_space<semaphore_mem>>)
    %dma_wait3A_333 = arith.constant 2 : i32
    %dma_wait3A_334 = arith.constant 0 : i32
    %dma_wait3A_335 = arith.constant 0 : i32
    %dma_wait3A_336 = arith.constant 0 : i32
    %dma_wait3A_337 = arith.constant 0 : i32
    %dma_wait3A_338 = arith.constant 0 : i32
    %dma_wait3A_339 = tpu.memref_slice %arg10[%dma_wait3A_334, %dma_wait3A_337, %dma_wait3A_338] : memref<2x128x128xf32, #tpu.memory_space<vmem>> -> memref<1x128x128xf32, #tpu.memory_space<vmem>>
    %dma_wait3A_340 = tpu.memref_squeeze %dma_wait3A_339 : memref<1x128x128xf32, #tpu.memory_space<vmem>> -> memref<128x128xf32, #tpu.memory_space<vmem>>
    %dma_wait3A_341 = arith.constant 0 : i32
    %dma_wait3A_342 = tpu.memref_slice %arg8[%dma_wait3A_333, %dma_wait3A_341] : memref<4x128xi32, #tpu.memory_space<vmem>> -> memref<1x128xi32, #tpu.memory_space<vmem>>
    %dma_wait3A_343 = tpu.memref_squeeze %dma_wait3A_342 : memref<1x128xi32, #tpu.memory_space<vmem>> -> memref<128xi32, #tpu.memory_space<vmem>>
    %dma_wait3A_344 = arith.constant 0 : i32
    %dma_wait3A_345 = arith.constant 0 : i32
    %dma_wait3A_346 = tpu.memref_slice %arg2[%dma_wait3A_344, %dma_wait3A_345] : memref<507904x128xf32, #tpu.memory_space<hbm>> -> memref<507904x128xf32, #tpu.memory_space<hbm>>
    %dma_wait3A_347 = tpu.memref_slice %arg12[%dma_wait3A_335, %dma_wait3A_336] : memref<2x2x!tpu.dma_semaphore, #tpu.memory_space<semaphore_mem>> -> memref<1x1x!tpu.dma_semaphore, #tpu.memory_space<semaphore_mem>>
    %dma_wait3A_348 = tpu.memref_squeeze %dma_wait3A_347 : memref<1x1x!tpu.dma_semaphore, #tpu.memory_space<semaphore_mem>> -> memref<!tpu.dma_semaphore, #tpu.memory_space<semaphore_mem>>
    tpu.wait_indirect_dma semaphore(%dma_wait3A_348 : memref<!tpu.dma_semaphore, #tpu.memory_space<semaphore_mem>>) src(%dma_wait3A_346 : memref<507904x128xf32, #tpu.memory_space<hbm>>) dst(%dma_wait3A_340 : memref<128x128xf32, #tpu.memory_space<vmem>>)
    %dma_wait3A_349 = arith.constant 2 : i32
    %dma_wait3A_350 = arith.constant 0 : i32
    %dma_wait3A_351 = arith.constant 0 : i32
    %dma_wait3A_352 = arith.constant 1 : i32
    %dma_wait3A_353 = arith.constant 0 : i32
    %dma_wait3A_354 = arith.constant 0 : i32
    %dma_wait3A_355 = tpu.memref_slice %arg11[%dma_wait3A_350, %dma_wait3A_353, %dma_wait3A_354] : memref<2x128x128xf32, #tpu.memory_space<vmem>> -> memref<1x128x128xf32, #tpu.memory_space<vmem>>
    %dma_wait3A_356 = tpu.memref_squeeze %dma_wait3A_355 : memref<1x128x128xf32, #tpu.memory_space<vmem>> -> memref<128x128xf32, #tpu.memory_space<vmem>>
    %dma_wait3A_357 = arith.constant 0 : i32
    %dma_wait3A_358 = tpu.memref_slice %arg9[%dma_wait3A_349, %dma_wait3A_357] : memref<4x128xi32, #tpu.memory_space<vmem>> -> memref<1x128xi32, #tpu.memory_space<vmem>>
    %dma_wait3A_359 = tpu.memref_squeeze %dma_wait3A_358 : memref<1x128xi32, #tpu.memory_space<vmem>> -> memref<128xi32, #tpu.memory_space<vmem>>
    %dma_wait3A_360 = arith.constant 0 : i32
    %dma_wait3A_361 = arith.constant 0 : i32
    %dma_wait3A_362 = tpu.memref_slice %arg3[%dma_wait3A_360, %dma_wait3A_361] : memref<507904x128xf32, #tpu.memory_space<hbm>> -> memref<507904x128xf32, #tpu.memory_space<hbm>>
    %dma_wait3A_363 = tpu.memref_slice %arg12[%dma_wait3A_351, %dma_wait3A_352] : memref<2x2x!tpu.dma_semaphore, #tpu.memory_space<semaphore_mem>> -> memref<1x1x!tpu.dma_semaphore, #tpu.memory_space<semaphore_mem>>
    %dma_wait3A_364 = tpu.memref_squeeze %dma_wait3A_363 : memref<1x1x!tpu.dma_semaphore, #tpu.memory_space<semaphore_mem>> -> memref<!tpu.dma_semaphore, #tpu.memory_space<semaphore_mem>>
    tpu.wait_indirect_dma semaphore(%dma_wait3A_364 : memref<!tpu.dma_semaphore, #tpu.memory_space<semaphore_mem>>) src(%dma_wait3A_362 : memref<507904x128xf32, #tpu.memory_space<hbm>>) dst(%dma_wait3A_356 : memref<128x128xf32, #tpu.memory_space<vmem>>)
    %add3A_365 = arith.constant 256 : i32
    %add3A_366 = arith.addi %mul3A_2, %add3A_365 : i32
    %dma_start3A_367 = arith.constant 0 : i32
    %dma_start3A_368 = arith.constant 0 : i32
    %dma_start3A_369 = arith.constant 0 : i32
    %dma_start3A_370 = arith.constant 0 : i32
    %dma_start3A_371 = arith.constant 0 : i32
    %dma_start3A_372 = tpu.memref_slice %arg10[%dma_start3A_367, %dma_start3A_370, %dma_start3A_371] : memref<2x128x128xf32, #tpu.memory_space<vmem>> -> memref<1x128x128xf32, #tpu.memory_space<vmem>>
    %dma_start3A_373 = tpu.memref_squeeze %dma_start3A_372 : memref<1x128x128xf32, #tpu.memory_space<vmem>> -> memref<128x128xf32, #tpu.memory_space<vmem>>
    %dma_start3A_374 = arith.constant 0 : i32
    %dma_start3A_375 = tpu.memref_slice %arg6[%add3A_366, %dma_start3A_374] : memref<16384x128xf32, #tpu.memory_space<hbm>> -> memref<128x128xf32, #tpu.memory_space<hbm>>
    %dma_start3A_376 = tpu.memref_slice %arg13[%dma_start3A_368, %dma_start3A_369] : memref<2x2x!tpu.dma_semaphore, #tpu.memory_space<semaphore_mem>> -> memref<1x1x!tpu.dma_semaphore, #tpu.memory_space<semaphore_mem>>
    %dma_start3A_377 = tpu.memref_squeeze %dma_start3A_376 : memref<1x1x!tpu.dma_semaphore, #tpu.memory_space<semaphore_mem>> -> memref<!tpu.dma_semaphore, #tpu.memory_space<semaphore_mem>>
    %dma_start3A_378 = arith.constant 0 : i32
    %dma_start3A_379 = tpu.memref_slice %arg6[%add3A_366, %dma_start3A_378] : memref<16384x128xf32, #tpu.memory_space<hbm>> -> memref<128x128xf32, #tpu.memory_space<hbm>>
    %dma_start3A_380 = arith.constant 0 : i32
    %dma_start3A_381 = arith.constant 0 : i32
    %dma_start3A_382 = tpu.memref_slice %arg10[%dma_start3A_367, %dma_start3A_380, %dma_start3A_381] : memref<2x128x128xf32, #tpu.memory_space<vmem>> -> memref<1x128x128xf32, #tpu.memory_space<vmem>>
    %dma_start3A_383 = tpu.memref_squeeze %dma_start3A_382 : memref<1x128x128xf32, #tpu.memory_space<vmem>> -> memref<128x128xf32, #tpu.memory_space<vmem>>
    tpu.enqueue_dma source(%dma_start3A_383 : memref<128x128xf32, #tpu.memory_space<vmem>>) target(%dma_start3A_379 : memref<128x128xf32, #tpu.memory_space<hbm>>) target_semaphore(%dma_start3A_377 : memref<!tpu.dma_semaphore, #tpu.memory_space<semaphore_mem>>)
    %dma_start3A_384 = arith.constant 0 : i32
    %dma_start3A_385 = arith.constant 0 : i32
    %dma_start3A_386 = arith.constant 1 : i32
    %dma_start3A_387 = arith.constant 0 : i32
    %dma_start3A_388 = arith.constant 0 : i32
    %dma_start3A_389 = tpu.memref_slice %arg11[%dma_start3A_384, %dma_start3A_387, %dma_start3A_388] : memref<2x128x128xf32, #tpu.memory_space<vmem>> -> memref<1x128x128xf32, #tpu.memory_space<vmem>>
    %dma_start3A_390 = tpu.memref_squeeze %dma_start3A_389 : memref<1x128x128xf32, #tpu.memory_space<vmem>> -> memref<128x128xf32, #tpu.memory_space<vmem>>
    %dma_start3A_391 = arith.constant 0 : i32
    %dma_start3A_392 = tpu.memref_slice %arg7[%add3A_366, %dma_start3A_391] : memref<16384x128xf32, #tpu.memory_space<hbm>> -> memref<128x128xf32, #tpu.memory_space<hbm>>
    %dma_start3A_393 = tpu.memref_slice %arg13[%dma_start3A_385, %dma_start3A_386] : memref<2x2x!tpu.dma_semaphore, #tpu.memory_space<semaphore_mem>> -> memref<1x1x!tpu.dma_semaphore, #tpu.memory_space<semaphore_mem>>
    %dma_start3A_394 = tpu.memref_squeeze %dma_start3A_393 : memref<1x1x!tpu.dma_semaphore, #tpu.memory_space<semaphore_mem>> -> memref<!tpu.dma_semaphore, #tpu.memory_space<semaphore_mem>>
    %dma_start3A_395 = arith.constant 0 : i32
    %dma_start3A_396 = tpu.memref_slice %arg7[%add3A_366, %dma_start3A_395] : memref<16384x128xf32, #tpu.memory_space<hbm>> -> memref<128x128xf32, #tpu.memory_space<hbm>>
    %dma_start3A_397 = arith.constant 0 : i32
    %dma_start3A_398 = arith.constant 0 : i32
    %dma_start3A_399 = tpu.memref_slice %arg11[%dma_start3A_384, %dma_start3A_397, %dma_start3A_398] : memref<2x128x128xf32, #tpu.memory_space<vmem>> -> memref<1x128x128xf32, #tpu.memory_space<vmem>>
    %dma_start3A_400 = tpu.memref_squeeze %dma_start3A_399 : memref<1x128x128xf32, #tpu.memory_space<vmem>> -> memref<128x128xf32, #tpu.memory_space<vmem>>
    tpu.enqueue_dma source(%dma_start3A_400 : memref<128x128xf32, #tpu.memory_space<vmem>>) target(%dma_start3A_396 : memref<128x128xf32, #tpu.memory_space<hbm>>) target_semaphore(%dma_start3A_394 : memref<!tpu.dma_semaphore, #tpu.memory_space<semaphore_mem>>)
    %dma_wait3A_401 = arith.constant 3 : i32
    %dma_wait3A_402 = arith.constant 1 : i32
    %dma_wait3A_403 = arith.constant 1 : i32
    %dma_wait3A_404 = arith.constant 0 : i32
    %dma_wait3A_405 = arith.constant 0 : i32
    %dma_wait3A_406 = arith.constant 0 : i32
    %dma_wait3A_407 = tpu.memref_slice %arg10[%dma_wait3A_402, %dma_wait3A_405, %dma_wait3A_406] : memref<2x128x128xf32, #tpu.memory_space<vmem>> -> memref<1x128x128xf32, #tpu.memory_space<vmem>>
    %dma_wait3A_408 = tpu.memref_squeeze %dma_wait3A_407 : memref<1x128x128xf32, #tpu.memory_space<vmem>> -> memref<128x128xf32, #tpu.memory_space<vmem>>
    %dma_wait3A_409 = arith.constant 0 : i32
    %dma_wait3A_410 = tpu.memref_slice %arg8[%dma_wait3A_401, %dma_wait3A_409] : memref<4x128xi32, #tpu.memory_space<vmem>> -> memref<1x128xi32, #tpu.memory_space<vmem>>
    %dma_wait3A_411 = tpu.memref_squeeze %dma_wait3A_410 : memref<1x128xi32, #tpu.memory_space<vmem>> -> memref<128xi32, #tpu.memory_space<vmem>>
    %dma_wait3A_412 = arith.constant 0 : i32
    %dma_wait3A_413 = arith.constant 0 : i32
    %dma_wait3A_414 = tpu.memref_slice %arg2[%dma_wait3A_412, %dma_wait3A_413] : memref<507904x128xf32, #tpu.memory_space<hbm>> -> memref<507904x128xf32, #tpu.memory_space<hbm>>
    %dma_wait3A_415 = tpu.memref_slice %arg12[%dma_wait3A_403, %dma_wait3A_404] : memref<2x2x!tpu.dma_semaphore, #tpu.memory_space<semaphore_mem>> -> memref<1x1x!tpu.dma_semaphore, #tpu.memory_space<semaphore_mem>>
    %dma_wait3A_416 = tpu.memref_squeeze %dma_wait3A_415 : memref<1x1x!tpu.dma_semaphore, #tpu.memory_space<semaphore_mem>> -> memref<!tpu.dma_semaphore, #tpu.memory_space<semaphore_mem>>
    tpu.wait_indirect_dma semaphore(%dma_wait3A_416 : memref<!tpu.dma_semaphore, #tpu.memory_space<semaphore_mem>>) src(%dma_wait3A_414 : memref<507904x128xf32, #tpu.memory_space<hbm>>) dst(%dma_wait3A_408 : memref<128x128xf32, #tpu.memory_space<vmem>>)
    %dma_wait3A_417 = arith.constant 3 : i32
    %dma_wait3A_418 = arith.constant 1 : i32
    %dma_wait3A_419 = arith.constant 1 : i32
    %dma_wait3A_420 = arith.constant 1 : i32
    %dma_wait3A_421 = arith.constant 0 : i32
    %dma_wait3A_422 = arith.constant 0 : i32
    %dma_wait3A_423 = tpu.memref_slice %arg11[%dma_wait3A_418, %dma_wait3A_421, %dma_wait3A_422] : memref<2x128x128xf32, #tpu.memory_space<vmem>> -> memref<1x128x128xf32, #tpu.memory_space<vmem>>
    %dma_wait3A_424 = tpu.memref_squeeze %dma_wait3A_423 : memref<1x128x128xf32, #tpu.memory_space<vmem>> -> memref<128x128xf32, #tpu.memory_space<vmem>>
    %dma_wait3A_425 = arith.constant 0 : i32
    %dma_wait3A_426 = tpu.memref_slice %arg9[%dma_wait3A_417, %dma_wait3A_425] : memref<4x128xi32, #tpu.memory_space<vmem>> -> memref<1x128xi32, #tpu.memory_space<vmem>>
    %dma_wait3A_427 = tpu.memref_squeeze %dma_wait3A_426 : memref<1x128xi32, #tpu.memory_space<vmem>> -> memref<128xi32, #tpu.memory_space<vmem>>
    %dma_wait3A_428 = arith.constant 0 : i32
    %dma_wait3A_429 = arith.constant 0 : i32
    %dma_wait3A_430 = tpu.memref_slice %arg3[%dma_wait3A_428, %dma_wait3A_429] : memref<507904x128xf32, #tpu.memory_space<hbm>> -> memref<507904x128xf32, #tpu.memory_space<hbm>>
    %dma_wait3A_431 = tpu.memref_slice %arg12[%dma_wait3A_419, %dma_wait3A_420] : memref<2x2x!tpu.dma_semaphore, #tpu.memory_space<semaphore_mem>> -> memref<1x1x!tpu.dma_semaphore, #tpu.memory_space<semaphore_mem>>
    %dma_wait3A_432 = tpu.memref_squeeze %dma_wait3A_431 : memref<1x1x!tpu.dma_semaphore, #tpu.memory_space<semaphore_mem>> -> memref<!tpu.dma_semaphore, #tpu.memory_space<semaphore_mem>>
    tpu.wait_indirect_dma semaphore(%dma_wait3A_432 : memref<!tpu.dma_semaphore, #tpu.memory_space<semaphore_mem>>) src(%dma_wait3A_430 : memref<507904x128xf32, #tpu.memory_space<hbm>>) dst(%dma_wait3A_424 : memref<128x128xf32, #tpu.memory_space<vmem>>)
    %add3A_433 = arith.constant 384 : i32
    %add3A_434 = arith.addi %mul3A_2, %add3A_433 : i32
    %dma_start3A_435 = arith.constant 1 : i32
    %dma_start3A_436 = arith.constant 1 : i32
    %dma_start3A_437 = arith.constant 0 : i32
    %dma_start3A_438 = arith.constant 0 : i32
    %dma_start3A_439 = arith.constant 0 : i32
    %dma_start3A_440 = tpu.memref_slice %arg10[%dma_start3A_435, %dma_start3A_438, %dma_start3A_439] : memref<2x128x128xf32, #tpu.memory_space<vmem>> -> memref<1x128x128xf32, #tpu.memory_space<vmem>>
    %dma_start3A_441 = tpu.memref_squeeze %dma_start3A_440 : memref<1x128x128xf32, #tpu.memory_space<vmem>> -> memref<128x128xf32, #tpu.memory_space<vmem>>
    %dma_start3A_442 = arith.constant 0 : i32
    %dma_start3A_443 = tpu.memref_slice %arg6[%add3A_434, %dma_start3A_442] : memref<16384x128xf32, #tpu.memory_space<hbm>> -> memref<128x128xf32, #tpu.memory_space<hbm>>
    %dma_start3A_444 = tpu.memref_slice %arg13[%dma_start3A_436, %dma_start3A_437] : memref<2x2x!tpu.dma_semaphore, #tpu.memory_space<semaphore_mem>> -> memref<1x1x!tpu.dma_semaphore, #tpu.memory_space<semaphore_mem>>
    %dma_start3A_445 = tpu.memref_squeeze %dma_start3A_444 : memref<1x1x!tpu.dma_semaphore, #tpu.memory_space<semaphore_mem>> -> memref<!tpu.dma_semaphore, #tpu.memory_space<semaphore_mem>>
    %dma_start3A_446 = arith.constant 0 : i32
    %dma_start3A_447 = tpu.memref_slice %arg6[%add3A_434, %dma_start3A_446] : memref<16384x128xf32, #tpu.memory_space<hbm>> -> memref<128x128xf32, #tpu.memory_space<hbm>>
    %dma_start3A_448 = arith.constant 0 : i32
    %dma_start3A_449 = arith.constant 0 : i32
    %dma_start3A_450 = tpu.memref_slice %arg10[%dma_start3A_435, %dma_start3A_448, %dma_start3A_449] : memref<2x128x128xf32, #tpu.memory_space<vmem>> -> memref<1x128x128xf32, #tpu.memory_space<vmem>>
    %dma_start3A_451 = tpu.memref_squeeze %dma_start3A_450 : memref<1x128x128xf32, #tpu.memory_space<vmem>> -> memref<128x128xf32, #tpu.memory_space<vmem>>
    tpu.enqueue_dma source(%dma_start3A_451 : memref<128x128xf32, #tpu.memory_space<vmem>>) target(%dma_start3A_447 : memref<128x128xf32, #tpu.memory_space<hbm>>) target_semaphore(%dma_start3A_445 : memref<!tpu.dma_semaphore, #tpu.memory_space<semaphore_mem>>)
    %dma_start3A_452 = arith.constant 1 : i32
    %dma_start3A_453 = arith.constant 1 : i32
    %dma_start3A_454 = arith.constant 1 : i32
    %dma_start3A_455 = arith.constant 0 : i32
    %dma_start3A_456 = arith.constant 0 : i32
    %dma_start3A_457 = tpu.memref_slice %arg11[%dma_start3A_452, %dma_start3A_455, %dma_start3A_456] : memref<2x128x128xf32, #tpu.memory_space<vmem>> -> memref<1x128x128xf32, #tpu.memory_space<vmem>>
    %dma_start3A_458 = tpu.memref_squeeze %dma_start3A_457 : memref<1x128x128xf32, #tpu.memory_space<vmem>> -> memref<128x128xf32, #tpu.memory_space<vmem>>
    %dma_start3A_459 = arith.constant 0 : i32
    %dma_start3A_460 = tpu.memref_slice %arg7[%add3A_434, %dma_start3A_459] : memref<16384x128xf32, #tpu.memory_space<hbm>> -> memref<128x128xf32, #tpu.memory_space<hbm>>
    %dma_start3A_461 = tpu.memref_slice %arg13[%dma_start3A_453, %dma_start3A_454] : memref<2x2x!tpu.dma_semaphore, #tpu.memory_space<semaphore_mem>> -> memref<1x1x!tpu.dma_semaphore, #tpu.memory_space<semaphore_mem>>
    %dma_start3A_462 = tpu.memref_squeeze %dma_start3A_461 : memref<1x1x!tpu.dma_semaphore, #tpu.memory_space<semaphore_mem>> -> memref<!tpu.dma_semaphore, #tpu.memory_space<semaphore_mem>>
    %dma_start3A_463 = arith.constant 0 : i32
    %dma_start3A_464 = tpu.memref_slice %arg7[%add3A_434, %dma_start3A_463] : memref<16384x128xf32, #tpu.memory_space<hbm>> -> memref<128x128xf32, #tpu.memory_space<hbm>>
    %dma_start3A_465 = arith.constant 0 : i32
    %dma_start3A_466 = arith.constant 0 : i32
    %dma_start3A_467 = tpu.memref_slice %arg11[%dma_start3A_452, %dma_start3A_465, %dma_start3A_466] : memref<2x128x128xf32, #tpu.memory_space<vmem>> -> memref<1x128x128xf32, #tpu.memory_space<vmem>>
    %dma_start3A_468 = tpu.memref_squeeze %dma_start3A_467 : memref<1x128x128xf32, #tpu.memory_space<vmem>> -> memref<128x128xf32, #tpu.memory_space<vmem>>
    tpu.enqueue_dma source(%dma_start3A_468 : memref<128x128xf32, #tpu.memory_space<vmem>>) target(%dma_start3A_464 : memref<128x128xf32, #tpu.memory_space<hbm>>) target_semaphore(%dma_start3A_462 : memref<!tpu.dma_semaphore, #tpu.memory_space<semaphore_mem>>)
    %dma_wait3A_469 = arith.constant 0 : i32
    %dma_wait3A_470 = arith.constant 0 : i32
    %dma_wait3A_471 = arith.constant 0 : i32
    %dma_wait3A_472 = arith.constant 0 : i32
    %dma_wait3A_473 = arith.constant 0 : i32
    %dma_wait3A_474 = tpu.memref_slice %arg10[%dma_wait3A_469, %dma_wait3A_472, %dma_wait3A_473] : memref<2x128x128xf32, #tpu.memory_space<vmem>> -> memref<1x128x128xf32, #tpu.memory_space<vmem>>
    %dma_wait3A_475 = tpu.memref_squeeze %dma_wait3A_474 : memref<1x128x128xf32, #tpu.memory_space<vmem>> -> memref<128x128xf32, #tpu.memory_space<vmem>>
    %dma_wait3A_476 = arith.constant 0 : i32
    %dma_wait3A_477 = tpu.memref_slice %arg6[%add3A_366, %dma_wait3A_476] : memref<16384x128xf32, #tpu.memory_space<hbm>> -> memref<128x128xf32, #tpu.memory_space<hbm>>
    %dma_wait3A_478 = tpu.memref_slice %arg13[%dma_wait3A_470, %dma_wait3A_471] : memref<2x2x!tpu.dma_semaphore, #tpu.memory_space<semaphore_mem>> -> memref<1x1x!tpu.dma_semaphore, #tpu.memory_space<semaphore_mem>>
    %dma_wait3A_479 = tpu.memref_squeeze %dma_wait3A_478 : memref<1x1x!tpu.dma_semaphore, #tpu.memory_space<semaphore_mem>> -> memref<!tpu.dma_semaphore, #tpu.memory_space<semaphore_mem>>
    %dma_wait3A_480 = arith.constant 0 : i32
    %dma_wait3A_481 = tpu.memref_slice %arg6[%add3A_366, %dma_wait3A_480] : memref<16384x128xf32, #tpu.memory_space<hbm>> -> memref<128x128xf32, #tpu.memory_space<hbm>>
    %dma_wait3A_482 = arith.constant 0 : i32
    %dma_wait3A_483 = arith.constant 0 : i32
    %dma_wait3A_484 = tpu.memref_slice %arg10[%dma_wait3A_469, %dma_wait3A_482, %dma_wait3A_483] : memref<2x128x128xf32, #tpu.memory_space<vmem>> -> memref<1x128x128xf32, #tpu.memory_space<vmem>>
    %dma_wait3A_485 = tpu.memref_squeeze %dma_wait3A_484 : memref<1x128x128xf32, #tpu.memory_space<vmem>> -> memref<128x128xf32, #tpu.memory_space<vmem>>
    tpu.wait_dma2 semaphore(%dma_wait3A_479 : memref<!tpu.dma_semaphore, #tpu.memory_space<semaphore_mem>>) src(%dma_wait3A_485 : memref<128x128xf32, #tpu.memory_space<vmem>>) dst(%dma_wait3A_481 : memref<128x128xf32, #tpu.memory_space<hbm>>)
    %dma_wait3A_486 = arith.constant 0 : i32
    %dma_wait3A_487 = arith.constant 0 : i32
    %dma_wait3A_488 = arith.constant 1 : i32
    %dma_wait3A_489 = arith.constant 0 : i32
    %dma_wait3A_490 = arith.constant 0 : i32
    %dma_wait3A_491 = tpu.memref_slice %arg11[%dma_wait3A_486, %dma_wait3A_489, %dma_wait3A_490] : memref<2x128x128xf32, #tpu.memory_space<vmem>> -> memref<1x128x128xf32, #tpu.memory_space<vmem>>
    %dma_wait3A_492 = tpu.memref_squeeze %dma_wait3A_491 : memref<1x128x128xf32, #tpu.memory_space<vmem>> -> memref<128x128xf32, #tpu.memory_space<vmem>>
    %dma_wait3A_493 = arith.constant 0 : i32
    %dma_wait3A_494 = tpu.memref_slice %arg7[%add3A_366, %dma_wait3A_493] : memref<16384x128xf32, #tpu.memory_space<hbm>> -> memref<128x128xf32, #tpu.memory_space<hbm>>
    %dma_wait3A_495 = tpu.memref_slice %arg13[%dma_wait3A_487, %dma_wait3A_488] : memref<2x2x!tpu.dma_semaphore, #tpu.memory_space<semaphore_mem>> -> memref<1x1x!tpu.dma_semaphore, #tpu.memory_space<semaphore_mem>>
    %dma_wait3A_496 = tpu.memref_squeeze %dma_wait3A_495 : memref<1x1x!tpu.dma_semaphore, #tpu.memory_space<semaphore_mem>> -> memref<!tpu.dma_semaphore, #tpu.memory_space<semaphore_mem>>
    %dma_wait3A_497 = arith.constant 0 : i32
    %dma_wait3A_498 = tpu.memref_slice %arg7[%add3A_366, %dma_wait3A_497] : memref<16384x128xf32, #tpu.memory_space<hbm>> -> memref<128x128xf32, #tpu.memory_space<hbm>>
    %dma_wait3A_499 = arith.constant 0 : i32
    %dma_wait3A_500 = arith.constant 0 : i32
    %dma_wait3A_501 = tpu.memref_slice %arg11[%dma_wait3A_486, %dma_wait3A_499, %dma_wait3A_500] : memref<2x128x128xf32, #tpu.memory_space<vmem>> -> memref<1x128x128xf32, #tpu.memory_space<vmem>>
    %dma_wait3A_502 = tpu.memref_squeeze %dma_wait3A_501 : memref<1x128x128xf32, #tpu.memory_space<vmem>> -> memref<128x128xf32, #tpu.memory_space<vmem>>
    tpu.wait_dma2 semaphore(%dma_wait3A_496 : memref<!tpu.dma_semaphore, #tpu.memory_space<semaphore_mem>>) src(%dma_wait3A_502 : memref<128x128xf32, #tpu.memory_space<vmem>>) dst(%dma_wait3A_498 : memref<128x128xf32, #tpu.memory_space<hbm>>)
    %dma_wait3A_503 = arith.constant 1 : i32
    %dma_wait3A_504 = arith.constant 1 : i32
    %dma_wait3A_505 = arith.constant 0 : i32
    %dma_wait3A_506 = arith.constant 0 : i32
    %dma_wait3A_507 = arith.constant 0 : i32
    %dma_wait3A_508 = tpu.memref_slice %arg10[%dma_wait3A_503, %dma_wait3A_506, %dma_wait3A_507] : memref<2x128x128xf32, #tpu.memory_space<vmem>> -> memref<1x128x128xf32, #tpu.memory_space<vmem>>
    %dma_wait3A_509 = tpu.memref_squeeze %dma_wait3A_508 : memref<1x128x128xf32, #tpu.memory_space<vmem>> -> memref<128x128xf32, #tpu.memory_space<vmem>>
    %dma_wait3A_510 = arith.constant 0 : i32
    %dma_wait3A_511 = tpu.memref_slice %arg6[%add3A_434, %dma_wait3A_510] : memref<16384x128xf32, #tpu.memory_space<hbm>> -> memref<128x128xf32, #tpu.memory_space<hbm>>
    %dma_wait3A_512 = tpu.memref_slice %arg13[%dma_wait3A_504, %dma_wait3A_505] : memref<2x2x!tpu.dma_semaphore, #tpu.memory_space<semaphore_mem>> -> memref<1x1x!tpu.dma_semaphore, #tpu.memory_space<semaphore_mem>>
    %dma_wait3A_513 = tpu.memref_squeeze %dma_wait3A_512 : memref<1x1x!tpu.dma_semaphore, #tpu.memory_space<semaphore_mem>> -> memref<!tpu.dma_semaphore, #tpu.memory_space<semaphore_mem>>
    %dma_wait3A_514 = arith.constant 0 : i32
    %dma_wait3A_515 = tpu.memref_slice %arg6[%add3A_434, %dma_wait3A_514] : memref<16384x128xf32, #tpu.memory_space<hbm>> -> memref<128x128xf32, #tpu.memory_space<hbm>>
    %dma_wait3A_516 = arith.constant 0 : i32
    %dma_wait3A_517 = arith.constant 0 : i32
    %dma_wait3A_518 = tpu.memref_slice %arg10[%dma_wait3A_503, %dma_wait3A_516, %dma_wait3A_517] : memref<2x128x128xf32, #tpu.memory_space<vmem>> -> memref<1x128x128xf32, #tpu.memory_space<vmem>>
    %dma_wait3A_519 = tpu.memref_squeeze %dma_wait3A_518 : memref<1x128x128xf32, #tpu.memory_space<vmem>> -> memref<128x128xf32, #tpu.memory_space<vmem>>
    tpu.wait_dma2 semaphore(%dma_wait3A_513 : memref<!tpu.dma_semaphore, #tpu.memory_space<semaphore_mem>>) src(%dma_wait3A_519 : memref<128x128xf32, #tpu.memory_space<vmem>>) dst(%dma_wait3A_515 : memref<128x128xf32, #tpu.memory_space<hbm>>)
    %dma_wait3A_520 = arith.constant 1 : i32
    %dma_wait3A_521 = arith.constant 1 : i32
    %dma_wait3A_522 = arith.constant 1 : i32
    %dma_wait3A_523 = arith.constant 0 : i32
    %dma_wait3A_524 = arith.constant 0 : i32
    %dma_wait3A_525 = tpu.memref_slice %arg11[%dma_wait3A_520, %dma_wait3A_523, %dma_wait3A_524] : memref<2x128x128xf32, #tpu.memory_space<vmem>> -> memref<1x128x128xf32, #tpu.memory_space<vmem>>
    %dma_wait3A_526 = tpu.memref_squeeze %dma_wait3A_525 : memref<1x128x128xf32, #tpu.memory_space<vmem>> -> memref<128x128xf32, #tpu.memory_space<vmem>>
    %dma_wait3A_527 = arith.constant 0 : i32
    %dma_wait3A_528 = tpu.memref_slice %arg7[%add3A_434, %dma_wait3A_527] : memref<16384x128xf32, #tpu.memory_space<hbm>> -> memref<128x128xf32, #tpu.memory_space<hbm>>
    %dma_wait3A_529 = tpu.memref_slice %arg13[%dma_wait3A_521, %dma_wait3A_522] : memref<2x2x!tpu.dma_semaphore, #tpu.memory_space<semaphore_mem>> -> memref<1x1x!tpu.dma_semaphore, #tpu.memory_space<semaphore_mem>>
    %dma_wait3A_530 = tpu.memref_squeeze %dma_wait3A_529 : memref<1x1x!tpu.dma_semaphore, #tpu.memory_space<semaphore_mem>> -> memref<!tpu.dma_semaphore, #tpu.memory_space<semaphore_mem>>
    %dma_wait3A_531 = arith.constant 0 : i32
    %dma_wait3A_532 = tpu.memref_slice %arg7[%add3A_434, %dma_wait3A_531] : memref<16384x128xf32, #tpu.memory_space<hbm>> -> memref<128x128xf32, #tpu.memory_space<hbm>>
    %dma_wait3A_533 = arith.constant 0 : i32
    %dma_wait3A_534 = arith.constant 0 : i32
    %dma_wait3A_535 = tpu.memref_slice %arg11[%dma_wait3A_520, %dma_wait3A_533, %dma_wait3A_534] : memref<2x128x128xf32, #tpu.memory_space<vmem>> -> memref<1x128x128xf32, #tpu.memory_space<vmem>>
    %dma_wait3A_536 = tpu.memref_squeeze %dma_wait3A_535 : memref<1x128x128xf32, #tpu.memory_space<vmem>> -> memref<128x128xf32, #tpu.memory_space<vmem>>
    tpu.wait_dma2 semaphore(%dma_wait3A_530 : memref<!tpu.dma_semaphore, #tpu.memory_space<semaphore_mem>>) src(%dma_wait3A_536 : memref<128x128xf32, #tpu.memory_space<vmem>>) dst(%dma_wait3A_532 : memref<128x128xf32, #tpu.memory_space<hbm>>)
    return
  }
}

module attributes {stable_mosaic.version = 14 : i64} {
  func.func @_tc_transpose_body(%arg0: i32, %arg1: memref<64x16384xf32, #tpu.memory_space<vmem>>, %arg2: memref<8192x128xf32, #tpu.memory_space<vmem>>) attributes {dimension_semantics = [#tpu.dimension_semantics<arbitrary>], iteration_bounds = array<i64: 62>, scalar_prefetch = 0 : i64, scratch_operands = 0 : i64, tpu.core_type = #tpu.core_type<tc>, window_params = [{transform_indices = @transform_0, window_bounds = array<i64: 64, 16384>}, {transform_indices = @transform_1, window_bounds = array<i64: 8192, 128>}]} {
    %get3A = arith.constant 0 : index
    %get3A_0 = arith.constant 0 : index
    %get3A_1 = vector.load %arg1[%get3A, %get3A_0] : memref<64x16384xf32, #tpu.memory_space<vmem>>, vector<64x16384xf32>
    %slice3A = vector.extract_strided_slice %get3A_1 {offsets = [0, 0], sizes = [64, 8192], strides = [1, 1]} : vector<64x16384xf32> to vector<64x8192xf32>
    %slice3A_2 = vector.extract_strided_slice %get3A_1 {offsets = [0, 8192], sizes = [64, 8192], strides = [1, 1]} : vector<64x16384xf32> to vector<64x8192xf32>
    %concatenate3A = tpu.concatenate %slice3A, %slice3A_2 in 0 : vector<64x8192xf32>, vector<64x8192xf32> -> vector<128x8192xf32>
    %transpose3A = tpu.transpose %concatenate3A, [1, 0] : vector<128x8192xf32> -> vector<8192x128xf32>
    %swap3A = arith.constant 0 : index
    %swap3A_3 = arith.constant 0 : index
    %swap3A_4 = vector.load %arg2[%swap3A, %swap3A_3] : memref<8192x128xf32, #tpu.memory_space<vmem>>, vector<8192x128xf32>
    tpu.vector_store %arg2[%swap3A, %swap3A_3], %transpose3A {strides = array<i32>} : memref<8192x128xf32, #tpu.memory_space<vmem>>, vector<8192x128xf32>,
    return
  }
  func.func @transform_0(%arg0: i32) -> (i32, i32) {
    %c0_i32 = arith.constant 0 : i32
    %c0_i32_0 = arith.constant 0 : i32
    return %c0_i32, %arg0 : i32, i32
  }
  func.func @transform_1(%arg0: i32) -> (i32, i32) {
    %c0_i32 = arith.constant 0 : i32
    %c0_i32_0 = arith.constant 0 : i32
    return %arg0, %c0_i32 : i32, i32
  }
}

module attributes {stable_mosaic.version = 14 : i64} {
  func.func @_tc_dot_body(%arg0: i32, %arg1: memref<2048x128xf32, #tpu.memory_space<vmem>>, %arg2: memref<2048x128xf32, #tpu.memory_space<vmem>>, %arg3: memref<16x128xf32, #tpu.memory_space<vmem>>, %arg4: memref<16x128xf32, #tpu.memory_space<vmem>>, %arg5: memref<16x128xf32, #tpu.memory_space<vmem>>) attributes {dimension_semantics = [#tpu.dimension_semantics<arbitrary>], iteration_bounds = array<i64: 8>, scalar_prefetch = 0 : i64, scratch_operands = 0 : i64, tpu.core_type = #tpu.core_type<tc>, window_params = [{transform_indices = @transform_0, window_bounds = array<i64: 2048, 128>}, {transform_indices = @transform_1, window_bounds = array<i64: 2048, 128>}, {transform_indices = @transform_2, window_bounds = array<i64: 16, 128>}, {transform_indices = @transform_3, window_bounds = array<i64: 16, 128>}, {transform_indices = @transform_4, window_bounds = array<i64: 16, 128>}]} {
    %get3A = arith.constant 0 : index
    %get3A_0 = arith.constant 0 : index
    %get3A_1 = vector.load %arg1[%get3A, %get3A_0] : memref<2048x128xf32, #tpu.memory_space<vmem>>, vector<2048x128xf32>
    %get3A_2 = arith.constant 0 : index
    %get3A_3 = arith.constant 0 : index
    %get3A_4 = vector.load %arg2[%get3A_2, %get3A_3] : memref<2048x128xf32, #tpu.memory_space<vmem>>, vector<2048x128xf32>
    %slice3A = vector.extract_strided_slice %get3A_1 {offsets = [0, 0], sizes = [2048, 64], strides = [1, 1]} : vector<2048x128xf32> to vector<2048x64xf32>
    %slice3A_5 = vector.extract_strided_slice %get3A_1 {offsets = [0, 64], sizes = [2048, 64], strides = [1, 1]} : vector<2048x128xf32> to vector<2048x64xf32>
    %slice3A_6 = vector.extract_strided_slice %get3A_4 {offsets = [0, 0], sizes = [2048, 64], strides = [1, 1]} : vector<2048x128xf32> to vector<2048x64xf32>
    %slice3A_7 = vector.extract_strided_slice %get3A_4 {offsets = [0, 64], sizes = [2048, 64], strides = [1, 1]} : vector<2048x128xf32> to vector<2048x64xf32>
    %mul3A = arith.mulf %slice3A, %slice3A_6 : vector<2048x64xf32>
    %reduce_sum3A = arith.constant dense<0.000000e+00> : vector<2048xf32>
    %reduce_sum3A_8 = vector.multi_reduction <add>, %mul3A, %reduce_sum3A [1] : vector<2048x64xf32> to vector<2048xf32>
    %reshape3A = vector.shape_cast %reduce_sum3A_8 : vector<2048xf32> to vector<16x128xf32>
    %mul3A_9 = arith.mulf %slice3A, %slice3A_7 : vector<2048x64xf32>
    %reduce_sum3A_10 = arith.constant dense<0.000000e+00> : vector<2048xf32>
    %reduce_sum3A_11 = vector.multi_reduction <add>, %mul3A_9, %reduce_sum3A_10 [1] : vector<2048x64xf32> to vector<2048xf32>
    %reshape3A_12 = vector.shape_cast %reduce_sum3A_11 : vector<2048xf32> to vector<16x128xf32>
    %mul3A_13 = arith.mulf %slice3A_5, %slice3A_6 : vector<2048x64xf32>
    %reduce_sum3A_14 = arith.constant dense<0.000000e+00> : vector<2048xf32>
    %reduce_sum3A_15 = vector.multi_reduction <add>, %mul3A_13, %reduce_sum3A_14 [1] : vector<2048x64xf32> to vector<2048xf32>
    %reshape3A_16 = vector.shape_cast %reduce_sum3A_15 : vector<2048xf32> to vector<16x128xf32>
    %mul3A_17 = arith.mulf %slice3A_5, %slice3A_7 : vector<2048x64xf32>
    %reduce_sum3A_18 = arith.constant dense<0.000000e+00> : vector<2048xf32>
    %reduce_sum3A_19 = vector.multi_reduction <add>, %mul3A_17, %reduce_sum3A_18 [1] : vector<2048x64xf32> to vector<2048xf32>
    %reshape3A_20 = vector.shape_cast %reduce_sum3A_19 : vector<2048xf32> to vector<16x128xf32>
    %get3A_21 = arith.constant 0 : index
    %get3A_22 = arith.constant 0 : index
    %get3A_23 = vector.load %arg3[%get3A_21, %get3A_22] : memref<16x128xf32, #tpu.memory_space<vmem>>, vector<16x128xf32>
    %get3A_24 = arith.constant 0 : index
    %get3A_25 = arith.constant 0 : index
    %get3A_26 = vector.load %arg4[%get3A_24, %get3A_25] : memref<16x128xf32, #tpu.memory_space<vmem>>, vector<16x128xf32>
    %sub3A = arith.constant 1.000000e+00 : f32
    %sub3A_27 = vector.broadcast %sub3A : f32 to vector<16x128xf32>
    %sub3A_28 = arith.subf %sub3A_27, %get3A_23 : vector<16x128xf32>
    %sub3A_29 = arith.constant 1.000000e+00 : f32
    %sub3A_30 = vector.broadcast %sub3A_29 : f32 to vector<16x128xf32>
    %sub3A_31 = arith.subf %sub3A_30, %get3A_26 : vector<16x128xf32>
    %mul3A_32 = arith.mulf %sub3A_31, %reshape3A : vector<16x128xf32>
    %mul3A_33 = arith.mulf %get3A_26, %reshape3A_12 : vector<16x128xf32>
    %add3A = arith.addf %mul3A_32, %mul3A_33 : vector<16x128xf32>
    %mul3A_34 = arith.mulf %sub3A_28, %add3A : vector<16x128xf32>
    %sub3A_35 = arith.constant 1.000000e+00 : f32
    %sub3A_36 = vector.broadcast %sub3A_35 : f32 to vector<16x128xf32>
    %sub3A_37 = arith.subf %sub3A_36, %get3A_26 : vector<16x128xf32>
    %mul3A_38 = arith.mulf %sub3A_37, %reshape3A_16 : vector<16x128xf32>
    %mul3A_39 = arith.mulf %get3A_26, %reshape3A_20 : vector<16x128xf32>
    %add3A_40 = arith.addf %mul3A_38, %mul3A_39 : vector<16x128xf32>
    %mul3A_41 = arith.mulf %get3A_23, %add3A_40 : vector<16x128xf32>
    %add3A_42 = arith.addf %mul3A_34, %mul3A_41 : vector<16x128xf32>
    %swap3A = arith.constant 0 : index
    %swap3A_43 = arith.constant 0 : index
    %swap3A_44 = vector.load %arg5[%swap3A, %swap3A_43] : memref<16x128xf32, #tpu.memory_space<vmem>>, vector<16x128xf32>
    tpu.vector_store %arg5[%swap3A, %swap3A_43], %add3A_42 {strides = array<i32>} : memref<16x128xf32, #tpu.memory_space<vmem>>, vector<16x128xf32>,
    return
  }
  func.func @transform_0(%arg0: i32) -> (i32, i32) {
    %c0_i32 = arith.constant 0 : i32
    %c0_i32_0 = arith.constant 0 : i32
    return %arg0, %c0_i32 : i32, i32
  }
  func.func @transform_1(%arg0: i32) -> (i32, i32) {
    %c0_i32 = arith.constant 0 : i32
    %c0_i32_0 = arith.constant 0 : i32
    return %arg0, %c0_i32 : i32, i32
  }
  func.func @transform_2(%arg0: i32) -> (i32, i32) {
    %c0_i32 = arith.constant 0 : i32
    %c0_i32_0 = arith.constant 0 : i32
    return %arg0, %c0_i32 : i32, i32
  }
  func.func @transform_3(%arg0: i32) -> (i32, i32) {
    %c0_i32 = arith.constant 0 : i32
    %c0_i32_0 = arith.constant 0 : i32
    return %arg0, %c0_i32 : i32, i32
  }
  func.func @transform_4(%arg0: i32) -> (i32, i32) {
    %c0_i32 = arith.constant 0 : i32
    %c0_i32_0 = arith.constant 0 : i32
    return %arg0, %c0_i32 : i32, i32
  }
}

</mosaic_0001>

<sc_bundles>
// kernel: kernel.6.cloned.1.call-start
scs
__scs_entry_jumppad:
0x0: {  	(pc) =	sbr.rel $0x88, $3  }
0x1: {  	(tag) =	ssettag $0x0;
	lr =	simm.s32 $0x1  }
0x2: {  	[smem:$0x3F9D] =	sst lr;
	_ =	strace $0xD0000000  }
0x3: {  	_ = 	snop  }
0x4: {  	_ = 	snop  }
0x5: {  	_ = 	snop  }
0x6: {  	_ = 	snop  }
0x7: {  	_ = 	snop  }
__scs_overlays_trampoline_lowered:
0x8: {  	[smem:$0x3FAC] =	sst s0  }
0x9: {  	[smem:$0x3FAD] =	sst s1  }
0xa: {  	[smem:$0x3FAE] =	sst s2  }
0xb: {  	[smem:$0x3FAF] =	sst s3  }
0xc: {  	[smem:$0x3FB0] =	sst s4  }
0xd: {  	[smem:$0x3FB1] =	sst s5  }
0xe: {  	[smem:$0x3FB2] =	sst s6  }
0xf: {  	[smem:$0x3FB3] =	sst s7  }
0x10: {  	[smem:$0x3FB4] =	sst s8  }
0x11: {  	[smem:$0x3FB5] =	sst s9;
	s0 =	simm.s32 @!p0 $0x0  }
0x12: {  	s1 =	sld [smem:$0x3F9B];
	s0 =	simm.s32 @p0 $0x1  }
0x13: {  	[smem:$0x3FB6] =	sst s0;
	s0 =	simm.s32 @!p1 $0x0  }
0x14: {  	s2 =	sld [smem:$0x3F9A];
	s0 =	simm.s32 @p1 $0x1  }
0x15: {  	[smem:$0x3FB7] =	sst s0;
	s0 =	simm.s32 @!p2 $0x0  }
0x16: {  	s3 =	sld [smem:$0x3FDB];
	s0 =	simm.s32 @p2 $0x1  }
0x17: {  	s4 =	simm.s32 $0x1BF5;
	[smem:$0x3FB9] =	sst s0  }
0x18: {  	s0 =	sld [smem:$0x3F9C];
	_ =	swait.ge [sflag:s4], $0x0  }
0x19: {  	s7 =	sld [smem:$0x3F9D]  }
0x1a: {  	s8 =	sadd.s32 $0xFFFFE003, lr  }
0x1b: {  	s9 =	sadd.s32 $0xFFFFFEF7, lr;
	s5 =	simm.s32 $0xFFFFFFFF;
	p2 =	slt.u32 s8, $0xFFFFF086  }
0x1c: {  	p1 =	slt.u32 s9, $0xF7A;
	s5 =	simm.s32 @!p2 $0x0  }
0x1d: {  	s5 =	simm.s32 @p1 $0x1;
	p0 =	seq.s32 s7, s2  }
0x1e: {  	s7 =	smul.u32 @!p0 $0xF7A, s2;
	p2 =	seq.s32 @!p0 s5, $0x0  }
0x1f: {  	s9 =	smul.u32 $0xF7A, s1;
	s8 =	simm.s32 @!p0 $0x1BF5;
	p2 =	por !p2, p0  }
0x20: {  	[sflag:s8] =	ssyncset.s32 @!p0 $0xFFFFF086;
	s6 =	sadd.s32 @!p0 s3, s7;
	s7 =	simm.s32 @!p0 $0x108  }
0x21: {  	s3 =	sadd.s32 s3, s9;
	s6 =	sadd.s32 @!p0 $0x88, s6;
	s7 =	simm.s32 @p2 $0x1082  }
0x22: {  	[simem:s7], [sflag:s8] =	dma.local @!p0 [hbm:s6], $0xF7A  }
0x23: {  	s9 =	sor.u32 $0xD0000000, s2;
	s6 =	simm.s32 $0x108;
	_ =	swait.ge @!p0 [sflag:s8], $0x0  }
0x24: {  	s3 =	sadd.s32 $0x88, s3;
	s6 =	simm.s32 @!p1 $0x1082;
	[sflag:s4] =	ssyncset.s32 $0xFFFFF086  }
0x25: {  	[simem:s6], [sflag:s4] =	dma.local [hbm:s3], $0xF7A  }
0x26: {  	[smem:$0x3F9D] =	sst s1;
	(tag) =	ssettag s2;
	_ =	strace s9  }
0x27: {  	s1 =	sld [smem:$0x3FAD]  }
0x28: {  	s2 =	sld [smem:$0x3FAE]  }
0x29: {  	s4 =	sld [smem:$0x3FB0]  }
0x2a: {  	p0 =	seq.s32 s5, $0x0;
	s5 =	sld [smem:$0x3FB1]  }
0x2b: {  	s6 =	sld [smem:$0x3FB2]  }
0x2c: {  	s7 =	sld [smem:$0x3FB3]  }
0x2d: {  	s3 =	simm.s32 $0x108;
	s8 =	sld [smem:$0x3FB4]  }
0x2e: {  	s3 =	simm.s32 @!p0 $0x1082;
	s9 =	sld [smem:$0x3FB5]  }
0x2f: {  	lr =	sadd.s32 s0, s3;
	s0 =	sld [smem:$0x3FAC]  }
0x30: {  	s3 =	sld [smem:$0x3FAF]  }
0x31: {  	[smem:$0x3FB8] =	sst s10  }
0x32: {  	s10 =	sld [smem:$0x3FB6];
	_ =	sdelay $0x3  }
0x33: {  	p0 =	seq.s32 s10, $0x1;
	s10 =	sld [smem:$0x3FB8];
	_ =	sdelay $0x3  }
0x34: {  	[smem:$0x3FB8] =	sst s10  }
0x35: {  	s10 =	sld [smem:$0x3FB7];
	_ =	sdelay $0x3  }
0x36: {  	p1 =	seq.s32 s10, $0x1;
	s10 =	sld [smem:$0x3FB8];
	_ =	sdelay $0x3  }
0x37: {  	[smem:$0x3FB8] =	sst s10  }
0x38: {  	s10 =	sld [smem:$0x3FB9]  }
0x39: {  	_ = 	snop;
	(pc) =	sbr.ind lr, $3  }
0x3a: {  	_ = 	snop  }
0x3b: {  	_ = 	snop  }
0x3c: {  	p2 =	seq.s32 s10, $0x1;
	s10 =	sld [smem:$0x3FB8]  }
0x3d: {  	_ =	shalt  }
0x3e: {  	_ =	shalt  }
0x3f: {  	_ =	shalt  }
0x40: {  	_ =	shalt  }
0x41: {  	_ =	shalt  }
0x42: {  	_ =	shalt  }
0x43: {  	_ =	shalt  }
0x44: {  	_ =	shalt  }
0x45: {  	_ =	shalt  }
0x46: {  	_ =	shalt  }
0x47: {  	_ =	shalt  }
0x48: {  	_ =	shalt  }
0x49: {  	_ =	shalt  }
0x4a: {  	_ =	shalt  }
0x4b: {  	_ =	shalt  }
0x4c: {  	_ =	shalt  }
0x4d: {  	_ =	shalt  }
0x4e: {  	_ =	shalt  }
0x4f: {  	_ =	shalt  }
0x50: {  	_ =	shalt  }
0x51: {  	_ =	shalt  }
0x52: {  	_ =	shalt  }
0x53: {  	_ =	shalt  }
0x54: {  	_ =	shalt  }
0x55: {  	_ =	shalt  }
0x56: {  	_ =	shalt  }
0x57: {  	_ =	shalt  }
0x58: {  	_ =	shalt  }
0x59: {  	_ =	shalt  }
0x5a: {  	_ =	shalt  }
0x5b: {  	_ =	shalt  }
0x5c: {  	_ =	shalt  }
0x5d: {  	_ =	shalt  }
0x5e: {  	_ =	shalt  }
0x5f: {  	_ =	shalt  }
0x60: {  	_ =	shalt  }
0x61: {  	_ =	shalt  }
0x62: {  	_ =	shalt  }
0x63: {  	_ =	shalt  }
0x64: {  	_ =	shalt  }
0x65: {  	_ =	shalt  }
0x66: {  	_ =	shalt  }
0x67: {  	_ =	shalt  }
0x68: {  	_ =	shalt  }
0x69: {  	_ =	shalt  }
0x6a: {  	_ =	shalt  }
0x6b: {  	_ =	shalt  }
0x6c: {  	_ =	shalt  }
0x6d: {  	_ =	shalt  }
0x6e: {  	_ =	shalt  }
0x6f: {  	_ =	shalt  }
0x70: {  	_ =	shalt  }
0x71: {  	_ =	shalt  }
0x72: {  	_ =	shalt  }
0x73: {  	_ =	shalt  }
0x74: {  	_ =	shalt  }
0x75: {  	_ =	shalt  }
0x76: {  	_ =	shalt  }
0x77: {  	_ =	shalt  }
0x78: {  	_ =	shalt  }
0x79: {  	_ =	shalt  }
0x7a: {  	_ =	shalt  }
0x7b: {  	_ =	shalt  }
0x7c: {  	_ =	shalt  }
0x7d: {  	_ =	shalt  }
0x7e: {  	_ =	shalt  }
0x7f: {  	_ =	shalt  }
0x80: {  	_ =	shalt  }
0x81: {  	_ =	shalt  }
0x82: {  	_ =	shalt  }
0x83: {  	_ =	shalt  }
0x84: {  	_ =	shalt  }
0x85: {  	_ =	shalt  }
0x86: {  	_ =	shalt  }
0x87: {  	_ =	shalt  }
.Lfunc_end0:
.L_simem_size_0:
called_computation_lowered:
.L_overlay_start_0:
0x88: {  	s2 =	sld [smem:$0x3FD9]  }
0x89: {  	s3 =	sld [smem:$0x3FFE];
	_ =	sdelay $0x1  }
0x8a: {  	s1 =	srdreg.scid  }
0x8b: {  	s0 =	sand.u32 $0x1, s1  }
0x8c: {  	s16 =	sshll.u32 s0, $0xA;
	s2 =	sadd.s32 s3, s2  }
0x8d: {  	s2 =	sadd.s32 s2, s16  }
0x8e: {  	[smem:$0x3FC4] =	sst s2  }
0x8f: {  	_ = 	snop  }
0x90: {  	(tm) =	ssettm $0x1  }
0x91: {  	s17 =	sld [smem:$0x3FFB];
	_ =	sdelay $0x3  }
0x92: {  	_ =	strace s17  }
0x93: {  	s2 =	sld [smem:$0x3FFC];
	_ =	sdelay $0x3  }
0x94: {  	_ =	strace s2  }
0x95: {  	s2 =	sld [smem:$0x3FFD];
	_ =	sdelay $0x3  }
0x96: {  	_ =	strace s2  }
0x97: {  	_ =	strace $0x8FFFFFFF  }
0x98: {  	s18 =	sld [smem:$0x3FDB];
	_ =	sdelay $0x1  }
0x99: {  	s19 =	simm.s32 $_scs_section_size  }
0x9a: {  	s4 =	simm.s32 $_size__tile_overlayer_lowered;
	s5 =	simm.s32 $_tile_overlayer_lowered  }
0x9b: {  	s22 =	simm.s32 $0x1BFF;
	s21 =	sshll.u32 s5, $0x1;
	s2 =	sadd.s32 s19, s18  }
0x9c: {  	s6 =	simm.s32 $0x0;
	s20 =	sshll.u32 s4, $0x1;
	s4 =	sadd.s32 s21, s2  }
0x9d: {  	[timem:s6], [sflag:s22] =	dma.local [hbm:s4], s20  }
0x9e: {  	_ =	swait.ge [sflag:s22], s20  }
0x9f: {  	s3 =	ssub.s32 $0x0, s20;
	[sflag:s22] =	ssyncset.done $0x0  }
0xa0: {  	[sflag:s22] =	ssyncadd.s32 s3;
	_ =	sdelay $0x1  }
0xa1: {  	s23 =	simm.s32 $0x1B8B  }
0xa2: {  	_ =	swait.ge [sflag:s23], $0x1  }
0xa3: {  	[sflag:s23] =	ssyncset.done $0x0  }
0xa4: {  	s25 =	simm.s32 $0x1B8E;
	s24 =	sld [smem:$0x3FFE];
	[sflag:s23] =	ssyncadd.s32 $0xFFFFFFFF  }
0xa5: {  	s26 =	simm.s32 $execute0_lowered;
	[smem:$0x3FD2] =	sst s25  }
0xa6: {  	s4 =	sshll.u32 s26, $0x1;
	_ =	strace $0x80000046;
	[dreg:$0x1] =	wrdreg $0xFFFFFFFF  }
0xa7: {  	s28 =	simm.s32 $_size_execute0_lowered;
	s2 =	sadd.s32 s2, s4;
	[dreg:$0x0] =	wrdreg $0x0  }
0xa8: {  	s4 =	sshll.u32 s28, $0x1;
	[dreg:$0x2] =	wrdreg s2  }
0xa9: {  	[dreg:$0x3] =	wrdreg s4  }
0xaa: {  	[dreg:$0x4] =	wrdreg $0xC0  }
0xab: {  	_ =	task [dreg:s6], $0x5FFFF  }
0xac: {  	[dreg:$0x1] =	wrdreg $0xFFFFFFFF  }
0xad: {  	[dreg:$0x0] =	wrdreg $0x60  }
0xae: {  	[dreg:$0x2] =	wrdreg s24  }
0xaf: {  	[dreg:$0x3] =	wrdreg $0x9  }
0xb0: {  	_ =	task.clear_ibuf [dreg:s6], $0x4FFFF;
	_ =	strace $0x90000046  }
0xb1: {  	s29 =	simm.s32 $0x9;
	_ =	strace $0x80000048  }
0xb2: {  	_ =	swait.ge [sflag:s29], $0x1  }
0xb3: {  	[sflag:s29] =	ssyncadd.s32 $0xFFFFFFFF  }
0xb4: {  	_ =	strace $0x90000048  }
0xb5: {  	_ =	sfence  }
0xb6: {  	s30 =	sld [smem:$0x0];
	_ =	sdelay $0x2  }
0xb7: {  	s31 =	sshll.u32 s1, $0xD;
	s1 =	sshrl.u32 s1, $0x2  }
0xb8: {  	s3 =	sand.u32 $0x4000, s31;
	s1 =	sadd.s32 s1, s30  }
0xb9: {  	s0 =	sor.u32 s3, s0;
	s1 =	sshll.u32 s1, $0x11  }
0xba: {  	s0 =	sor.u32 s1, s0  }
0xbb: {  	s0 =	sadd.s32 $0x8F2B, s0  }
0xbc: {  	[sflag:s0] =	ssyncadd.remote.s32 $0x1  }
0xbd: {  	_ =	sfence.sel $0xFFFF  }
0xbe: {  	[dreg:$0x0] =	wrdreg $0xFFFFFFFF;
	(pc) =	sbr.abs _section_cstart, $3  }
0xbf: {  	[dreg:$0x1] =	wrdreg $0xFFFFFFFF  }
0xc0: {  	_ =	task.clear_ibuf [dreg:s6], $0x2FFFF;
	_ =	strace $0x9FFFFFFF  }
0xc1: {  	(tm) =	ssettm $0x7FFFFFFF  }
tec
execute0_lowered:
.L_overlay_start_1:
0x0: {  	(tag) =	ssettag $0x1  }
0x1: {  	s0 =	rddreg [dreg:$0x0]  }
0x2: {  	s1 =	srdreg.scid;
	s24 =	rddreg [dreg:$0x1]  }
0x3: {  	s3 =	stileid.u32;
	s2 =	simm.s32 $0x0;
	s30 =	simm.s32 $0x9  }
0x4: {  	s29 =	simm.s32 $0x200;
	s15 =	simm.s32 $0x400;
	s16 =	simm.s32 $0x8400  }
0x5: {  	s10 =	simm.s32 $0x4400;
	s11 =	simm.s32 $0xC400;
	s12 =	simm.s32 $0x5  }
0x6: {  	s28 =	simm.s32 $0x100;
	s31 =	simm.s32 $0x300;
	p0 =	por $0x0, $0x0  }
0x7: {  	s14 =	simm.s32 $0x7;
	s13 =	simm.s32 $0x8;
	s1 =	sand.u32 $0x1, s1  }
0x8: {  	s3 =	sshll.u32 s3, $0xA;
	[smem:$0x7FF] =	sst s2;
	s9 =	sadd.s32 $0xF82E00, s0  }
0x9: {  	s4 =	sshll.u32 s1, $0x9;
	_ =	strace $0x80000047;
	s1 =	ssub.s32 $0x2, s1  }
0xa: {  	s5 =	sor.u32 s4, s3;
	s3 =	sadd.s32 $0x1600, s0;
	s4 =	sadd.s32 $0x7C1600, s0  }
0xb: {  	s20 =	sshrl.u32 s1, $0x1;
	s6 =	sshrl.u32 s5, $0x3;
	s5 =	sshll.u32 s5, $0x4  }
0xc: {  	s1 =	ssub.s32 s1, s20;
	s20 =	simm.s32 $0x2;
	s6 =	sadd.s32 s6, s0  }
0xd: {  	s0 =	sadd.s32 $0xFC2E00, s0;
	s19 =	sadd.s32 s9, s5;
	s22 =	sor.u32 $0x800, s5  }
0xe: {  	s23 =	sor.u32 $0x1000, s5;
	s25 =	sor.u32 $0x1800, s5;
	s26 =	smax.u32 s1, $0x1  }
0xf: {  	s7 =	sadd.s32 $0xF81E00, s6;
	s6 =	sadd.s32 $0xF81600, s6;
	[dreg:$0x4] =	wrdreg s19  }
0x10: {  	s21 =	sadd.s32 s0, s5;
	s17 =	sadd.s32 s9, s22;
	s18 =	sadd.s32 s0, s22  }
0x11: {  	s8 =	sadd.s32 s0, s23;
	p1 =	sne.s32 s26, $0x1;
	[dreg:$0x2] =	wrdreg s7  }
.Ltmp0:
0x12: {  	s5 =	sadd.s32 s9, s25;
	[dreg:$0x3] =	wrdreg s6;
	(pc) =	sbr.rel @!p1 .LBB2_1-.Ltmp0, $4  }
0x13: {  	s19 =	simm.s32 $0x80;
	s22 =	simm.s32 $0x1;
	[dreg:$0x5] =	wrdreg s21  }
0x14: {  	s7 =	sadd.s32 s9, s23;
	s6 =	sadd.s32 s0, s25;
	s9 =	simm.s32 $0x6  }
0x15: {  	s0 =	sadd.s32 $0xFFFFFFFF, s26;
	s23 =	simm.s32 $0x3;
	s21 =	simm.s32 $0x4  }
0x16: {  	s25 =	simm.s32 $0x180;
	s26 =	simm.s32 $0x380;
	s1 =	rddreg [dreg:$0x2]  }
0x17: {  	[tilespmem:s2], [sflag:$0x9] =	stream.linear.gather [hbm4b:s1+s2], $0x200, $0x38;
	[tilespmem:$0x10400] =	vst v63  }
0x18: {  	_ =	swait.ge [sflag:s30], $0x200  }
0x19: {  	[sflag:s30] =	ssyncset.done $0x0  }
0x1a: {  	s24 =	rddreg [dreg:$0x3];
	[sflag:s30] =	ssyncadd.s32 $0xFFFFFE00  }
0x1b: {  	[tilespmem:s29], [sflag:$0x9] =	stream.linear.gather [hbm4b:s24+s2], $0x200, $0x38;
	[tilespmem:$0x10400] =	vst v63  }
0x1c: {  	_ =	swait.ge [sflag:s30], $0x200  }
0x1d: {  	[sflag:s30] =	ssyncset.done $0x0  }
0x1e: {  	[sflag:s30] =	ssyncadd.s32 $0xFFFFFE00  }
0x1f: {  	[tilespmem:s15], [sflag:$0x1] =	stream.indirect.gather [hbm4b:s3+s19], $0x80, s2, s19, $0xb8;
	[tilespmem:$0x10400] =	vst v63  }
0x20: {  	_ = 	snop  }
0x21: {  	[tilespmem:s16], [sflag:$0x2] =	stream.indirect.gather [hbm4b:s4+s19], $0x80, s29, s19, $0xb8;
	[tilespmem:$0x10400] =	vst v63  }
0x22: {  	_ = 	snop  }
0x23: {  	[tilespmem:s10], [sflag:$0x3] =	stream.indirect.gather [hbm4b:s3+s19], $0x80, s19, s19, $0xb8;
	[tilespmem:$0x10400] =	vst v63  }
0x24: {  	s1 =	simm.s32 $0x280  }
0x25: {  	[tilespmem:s11], [sflag:$0x4] =	stream.indirect.gather [hbm4b:s4+s19], $0x80, s1, s19, $0xb8;
	[tilespmem:$0x10400] =	vst v63  }
0x26: {  	_ =	swait.ge [sflag:s22], $0x4000  }
0x27: {  	[sflag:s22] =	ssyncset.done $0x0  }
0x28: {  	[sflag:s22] =	ssyncadd.s32 $0xFFFFC000  }
0x29: {  	_ =	swait.ge [sflag:s20], $0x4000  }
0x2a: {  	[sflag:s20] =	ssyncset.done $0x0  }
0x2b: {  	s1 =	rddreg [dreg:$0x4];
	[sflag:s20] =	ssyncadd.s32 $0xFFFFC000  }
0x2c: {  	[hbm4b:s1+s2] =	stream.linear.scatter [tilespmem:s15], [sflag:$0x5], $0x4000, $0x38;
	[tilespmem:$0x10400] =	vst v63  }
0x2d: {  	s24 =	smov.u32 s0;
	s0 =	rddreg [dreg:$0x5]  }
0x2e: {  	[hbm4b:s0+s2] =	stream.linear.scatter [tilespmem:s16], [sflag:$0x6], $0x4000, $0x38;
	[tilespmem:$0x10400] =	vst v63  }
0x2f: {  	_ =	swait.ge [sflag:s12], $0x4000  }
0x30: {  	[sflag:s12] =	ssyncset.done $0x0  }
0x31: {  	[sflag:s12] =	ssyncadd.s32 $0xFFFFC000  }
0x32: {  	_ =	swait.ge [sflag:s9], $0x4000  }
0x33: {  	[sflag:s9] =	ssyncset.done $0x0  }
0x34: {  	[sflag:s9] =	ssyncadd.s32 $0xFFFFC000  }
0x35: {  	[tilespmem:s15], [sflag:$0x1] =	stream.indirect.gather [hbm4b:s3+s19], $0x80, s28, s19, $0xb8;
	[tilespmem:$0x10400] =	vst v63  }
0x36: {  	_ = 	snop  }
0x37: {  	[tilespmem:s16], [sflag:$0x2] =	stream.indirect.gather [hbm4b:s4+s19], $0x80, s31, s19, $0xb8;
	[tilespmem:$0x10400] =	vst v63  }
0x38: {  	_ =	swait.ge [sflag:s23], $0x4000  }
0x39: {  	[sflag:s23] =	ssyncset.done $0x0  }
0x3a: {  	[sflag:s23] =	ssyncadd.s32 $0xFFFFC000  }
0x3b: {  	_ =	swait.ge [sflag:s21], $0x4000  }
0x3c: {  	[sflag:s21] =	ssyncset.done $0x0  }
0x3d: {  	[sflag:s21] =	ssyncadd.s32 $0xFFFFC000  }
0x3e: {  	[hbm4b:s17+s2] =	stream.linear.scatter [tilespmem:s10], [sflag:$0x7], $0x4000, $0x38;
	[tilespmem:$0x10400] =	vst v63  }
0x3f: {  	_ = 	snop  }
0x40: {  	[hbm4b:s18+s2] =	stream.linear.scatter [tilespmem:s11], [sflag:$0x8], $0x4000, $0x38;
	[tilespmem:$0x10400] =	vst v63  }
0x41: {  	_ =	swait.ge [sflag:s14], $0x4000  }
0x42: {  	[sflag:s14] =	ssyncset.done $0x0  }
0x43: {  	[sflag:s14] =	ssyncadd.s32 $0xFFFFC000  }
0x44: {  	_ =	swait.ge [sflag:s13], $0x4000  }
0x45: {  	[sflag:s13] =	ssyncset.done $0x0  }
0x46: {  	[sflag:s13] =	ssyncadd.s32 $0xFFFFC000  }
0x47: {  	[tilespmem:s10], [sflag:$0x3] =	stream.indirect.gather [hbm4b:s3+s19], $0x80, s25, s19, $0xb8;
	[tilespmem:$0x10400] =	vst v63  }
0x48: {  	_ = 	snop  }
0x49: {  	[tilespmem:s11], [sflag:$0x4] =	stream.indirect.gather [hbm4b:s4+s19], $0x80, s26, s19, $0xb8;
	[tilespmem:$0x10400] =	vst v63  }
0x4a: {  	_ =	swait.ge [sflag:s22], $0x4000  }
0x4b: {  	[sflag:s22] =	ssyncset.done $0x0  }
0x4c: {  	[sflag:s22] =	ssyncadd.s32 $0xFFFFC000  }
0x4d: {  	_ =	swait.ge [sflag:s20], $0x4000  }
0x4e: {  	[sflag:s20] =	ssyncset.done $0x0  }
0x4f: {  	[sflag:s20] =	ssyncadd.s32 $0xFFFFC000  }
0x50: {  	[hbm4b:s7+s2] =	stream.linear.scatter [tilespmem:s15], [sflag:$0x5], $0x4000, $0x38;
	[tilespmem:$0x10400] =	vst v63  }
0x51: {  	_ = 	snop  }
0x52: {  	[hbm4b:s8+s2] =	stream.linear.scatter [tilespmem:s16], [sflag:$0x6], $0x4000, $0x38;
	[tilespmem:$0x10400] =	vst v63  }
0x53: {  	_ =	swait.ge [sflag:s23], $0x4000  }
0x54: {  	[sflag:s23] =	ssyncset.done $0x0  }
0x55: {  	[sflag:s23] =	ssyncadd.s32 $0xFFFFC000  }
0x56: {  	_ =	swait.ge [sflag:s21], $0x4000  }
0x57: {  	[sflag:s21] =	ssyncset.done $0x0  }
0x58: {  	[sflag:s21] =	ssyncadd.s32 $0xFFFFC000  }
0x59: {  	[hbm4b:s5+s2] =	stream.linear.scatter [tilespmem:s10], [sflag:$0x7], $0x4000, $0x38;
	[tilespmem:$0x10400] =	vst v63  }
0x5a: {  	_ = 	snop  }
0x5b: {  	[hbm4b:s6+s2] =	stream.linear.scatter [tilespmem:s11], [sflag:$0x8], $0x4000, $0x38;
	[tilespmem:$0x10400] =	vst v63  }
0x5c: {  	_ =	swait.ge [sflag:s12], $0x4000  }
0x5d: {  	[sflag:s12] =	ssyncset.done $0x0  }
0x5e: {  	[sflag:s12] =	ssyncadd.s32 $0xFFFFC000  }
0x5f: {  	_ =	swait.ge [sflag:s9], $0x4000  }
0x60: {  	[sflag:s9] =	ssyncset.done $0x0  }
0x61: {  	p1 =	sne.s32 s24, $0x1;
	[sflag:s9] =	ssyncadd.s32 $0xFFFFC000  }
.Ltmp1:
0x62: {  	_ =	swait.ge [sflag:s14], $0x4000;
	(pc) =	sbr.rel @!p1 .LBB2_3-.Ltmp1, $4  }
0x63: {  	[sflag:s14] =	ssyncset.done $0x0  }
0x64: {  	[sflag:s14] =	ssyncadd.s32 $0xFFFFC000  }
0x65: {  	p0 =	por $0x1, $0x1;
	_ =	swait.ge [sflag:s13], $0x4000  }
0x66: {  	s0 =	sadd.s32 $0xFFFFFFFF, s24;
	s1 =	rddreg [dreg:$0x2];
	[sflag:s13] =	ssyncset.done $0x0  }
.LBB2_4:
0x67: {  	[sflag:s13] =	ssyncadd.s32 $0xFFFFC000  }
0x68: {  	[tilespmem:s2], [sflag:$0x9] =	stream.linear.gather [hbm4b:s1+s2], $0x200, $0x38;
	[tilespmem:$0x10400] =	vst v63  }
0x69: {  	_ =	swait.ge [sflag:s30], $0x200  }
0x6a: {  	[sflag:s30] =	ssyncset.done $0x0  }
0x6b: {  	s24 =	rddreg [dreg:$0x3];
	[sflag:s30] =	ssyncadd.s32 $0xFFFFFE00  }
0x6c: {  	[tilespmem:s29], [sflag:$0x9] =	stream.linear.gather [hbm4b:s24+s2], $0x200, $0x38;
	[tilespmem:$0x10400] =	vst v63  }
0x6d: {  	_ =	swait.ge [sflag:s30], $0x200  }
0x6e: {  	[sflag:s30] =	ssyncset.done $0x0  }
0x6f: {  	[sflag:s30] =	ssyncadd.s32 $0xFFFFFE00  }
0x70: {  	[tilespmem:s15], [sflag:$0x1] =	stream.indirect.gather [hbm4b:s3+s19], $0x80, s2, s19, $0xb8;
	[tilespmem:$0x10400] =	vst v63  }
0x71: {  	_ = 	snop  }
0x72: {  	[tilespmem:s16], [sflag:$0x2] =	stream.indirect.gather [hbm4b:s4+s19], $0x80, s29, s19, $0xb8;
	[tilespmem:$0x10400] =	vst v63  }
0x73: {  	_ = 	snop  }
0x74: {  	[tilespmem:s10], [sflag:$0x3] =	stream.indirect.gather [hbm4b:s3+s19], $0x80, s19, s19, $0xb8;
	[tilespmem:$0x10400] =	vst v63  }
0x75: {  	s24 =	simm.s32 $0x280  }
0x76: {  	[tilespmem:s11], [sflag:$0x4] =	stream.indirect.gather [hbm4b:s4+s19], $0x80, s24, s19, $0xb8;
	[tilespmem:$0x10400] =	vst v63  }
0x77: {  	_ =	swait.ge [sflag:s22], $0x4000  }
0x78: {  	[sflag:s22] =	ssyncset.done $0x0  }
0x79: {  	[sflag:s22] =	ssyncadd.s32 $0xFFFFC000  }
0x7a: {  	_ =	swait.ge [sflag:s20], $0x4000  }
0x7b: {  	[sflag:s20] =	ssyncset.done $0x0  }
0x7c: {  	s1 =	rddreg [dreg:$0x4];
	[sflag:s20] =	ssyncadd.s32 $0xFFFFC000  }
0x7d: {  	[hbm4b:s1+s2] =	stream.linear.scatter [tilespmem:s15], [sflag:$0x5], $0x4000, $0x38;
	[tilespmem:$0x10400] =	vst v63  }
0x7e: {  	s24 =	rddreg [dreg:$0x5]  }
0x7f: {  	[hbm4b:s24+s2] =	stream.linear.scatter [tilespmem:s16], [sflag:$0x6], $0x4000, $0x38;
	[tilespmem:$0x10400] =	vst v63  }
0x80: {  	_ =	swait.ge [sflag:s12], $0x4000  }
0x81: {  	[sflag:s12] =	ssyncset.done $0x0  }
0x82: {  	[sflag:s12] =	ssyncadd.s32 $0xFFFFC000  }
0x83: {  	_ =	swait.ge [sflag:s9], $0x4000  }
0x84: {  	[sflag:s9] =	ssyncset.done $0x0  }
0x85: {  	[sflag:s9] =	ssyncadd.s32 $0xFFFFC000  }
0x86: {  	[tilespmem:s15], [sflag:$0x1] =	stream.indirect.gather [hbm4b:s3+s19], $0x80, s28, s19, $0xb8;
	[tilespmem:$0x10400] =	vst v63  }
0x87: {  	_ = 	snop  }
0x88: {  	[tilespmem:s16], [sflag:$0x2] =	stream.indirect.gather [hbm4b:s4+s19], $0x80, s31, s19, $0xb8;
	[tilespmem:$0x10400] =	vst v63  }
0x89: {  	_ =	swait.ge [sflag:s23], $0x4000  }
0x8a: {  	[sflag:s23] =	ssyncset.done $0x0  }
0x8b: {  	[sflag:s23] =	ssyncadd.s32 $0xFFFFC000  }
0x8c: {  	_ =	swait.ge [sflag:s21], $0x4000  }
0x8d: {  	[sflag:s21] =	ssyncset.done $0x0  }
0x8e: {  	[sflag:s21] =	ssyncadd.s32 $0xFFFFC000  }
0x8f: {  	[hbm4b:s17+s2] =	stream.linear.scatter [tilespmem:s10], [sflag:$0x7], $0x4000, $0x38;
	[tilespmem:$0x10400] =	vst v63  }
0x90: {  	_ = 	snop  }
0x91: {  	[hbm4b:s18+s2] =	stream.linear.scatter [tilespmem:s11], [sflag:$0x8], $0x4000, $0x38;
	[tilespmem:$0x10400] =	vst v63  }
0x92: {  	_ =	swait.ge [sflag:s14], $0x4000  }
0x93: {  	[sflag:s14] =	ssyncset.done $0x0  }
0x94: {  	[sflag:s14] =	ssyncadd.s32 $0xFFFFC000  }
0x95: {  	_ =	swait.ge [sflag:s13], $0x4000  }
0x96: {  	[sflag:s13] =	ssyncset.done $0x0  }
0x97: {  	[sflag:s13] =	ssyncadd.s32 $0xFFFFC000  }
0x98: {  	[tilespmem:s10], [sflag:$0x3] =	stream.indirect.gather [hbm4b:s3+s19], $0x80, s25, s19, $0xb8;
	[tilespmem:$0x10400] =	vst v63  }
0x99: {  	_ = 	snop  }
0x9a: {  	[tilespmem:s11], [sflag:$0x4] =	stream.indirect.gather [hbm4b:s4+s19], $0x80, s26, s19, $0xb8;
	[tilespmem:$0x10400] =	vst v63  }
0x9b: {  	_ =	swait.ge [sflag:s22], $0x4000  }
0x9c: {  	[sflag:s22] =	ssyncset.done $0x0  }
0x9d: {  	[sflag:s22] =	ssyncadd.s32 $0xFFFFC000  }
0x9e: {  	_ =	swait.ge [sflag:s20], $0x4000  }
0x9f: {  	[sflag:s20] =	ssyncset.done $0x0  }
0xa0: {  	[sflag:s20] =	ssyncadd.s32 $0xFFFFC000  }
0xa1: {  	[hbm4b:s7+s2] =	stream.linear.scatter [tilespmem:s15], [sflag:$0x5], $0x4000, $0x38;
	[tilespmem:$0x10400] =	vst v63  }
0xa2: {  	_ = 	snop  }
0xa3: {  	[hbm4b:s8+s2] =	stream.linear.scatter [tilespmem:s16], [sflag:$0x6], $0x4000, $0x38;
	[tilespmem:$0x10400] =	vst v63  }
0xa4: {  	_ =	swait.ge [sflag:s23], $0x4000  }
0xa5: {  	[sflag:s23] =	ssyncset.done $0x0  }
0xa6: {  	[sflag:s23] =	ssyncadd.s32 $0xFFFFC000  }
0xa7: {  	_ =	swait.ge [sflag:s21], $0x4000  }
0xa8: {  	[sflag:s21] =	ssyncset.done $0x0  }
0xa9: {  	[sflag:s21] =	ssyncadd.s32 $0xFFFFC000  }
0xaa: {  	[hbm4b:s5+s2] =	stream.linear.scatter [tilespmem:s10], [sflag:$0x7], $0x4000, $0x38;
	[tilespmem:$0x10400] =	vst v63  }
0xab: {  	_ = 	snop  }
0xac: {  	[hbm4b:s6+s2] =	stream.linear.scatter [tilespmem:s11], [sflag:$0x8], $0x4000, $0x38;
	[tilespmem:$0x10400] =	vst v63  }
0xad: {  	_ =	swait.ge [sflag:s12], $0x4000  }
0xae: {  	[sflag:s12] =	ssyncset.done $0x0  }
0xaf: {  	[sflag:s12] =	ssyncadd.s32 $0xFFFFC000  }
0xb0: {  	_ =	swait.ge [sflag:s9], $0x4000  }
0xb1: {  	[sflag:s9] =	ssyncset.done $0x0  }
0xb2: {  	p1 =	sne.s32 s0, $0x1;
	[sflag:s9] =	ssyncadd.s32 $0xFFFFC000  }
.Ltmp2:
0xb3: {  	_ =	swait.ge [sflag:s14], $0x4000;
	(pc) =	sbr.rel @p1 .LBB2_4-.Ltmp2, $4  }
0xb4: {  	[sflag:s14] =	ssyncset.done $0x0  }
0xb5: {  	[sflag:s14] =	ssyncadd.s32 $0xFFFFC000  }
0xb6: {  	_ =	swait.ge [sflag:s13], $0x4000  }
0xb7: {  	s0 =	sadd.s32 $0xFFFFFFFF, s0;
	s1 =	rddreg [dreg:$0x2];
	[sflag:s13] =	ssyncset.done $0x0  }
0xb8: {  	s26 =	simm.s32 $0x280;
	s31 =	simm.s32 $0x300  }
0xb9: {  	s28 =	simm.s32 $0x100;
	s25 =	simm.s32 $0x180;
	s24 =	rddreg [dreg:$0x1]  }
.LBB2_6:
0xba: {  	[sflag:s13] =	ssyncadd.s32 @p0 $0xFFFFC000  }
0xbb: {  	[tilespmem:s2], [sflag:$0x9] =	stream.linear.gather [hbm4b:s1+s2], $0x200, $0x38;
	[tilespmem:$0x10400] =	vst v63  }
0xbc: {  	_ =	swait.ge [sflag:s30], $0x200  }
0xbd: {  	[sflag:s30] =	ssyncset.done $0x0  }
0xbe: {  	s0 =	rddreg [dreg:$0x3];
	[sflag:s30] =	ssyncadd.s32 $0xFFFFFE00  }
0xbf: {  	[tilespmem:s29], [sflag:$0x9] =	stream.linear.gather [hbm4b:s0+s2], $0x200, $0x38;
	[tilespmem:$0x10400] =	vst v63  }
0xc0: {  	_ =	swait.ge [sflag:s30], $0x200  }
0xc1: {  	[sflag:s30] =	ssyncset.done $0x0  }
0xc2: {  	[sflag:s30] =	ssyncadd.s32 $0xFFFFFE00  }
0xc3: {  	[tilespmem:s15], [sflag:$0x1] =	stream.indirect.gather [hbm4b:s3+s19], $0x80, s2, s19, $0xb8;
	[tilespmem:$0x10400] =	vst v63  }
0xc4: {  	_ = 	snop  }
0xc5: {  	[tilespmem:s16], [sflag:$0x2] =	stream.indirect.gather [hbm4b:s4+s19], $0x80, s29, s19, $0xb8;
	[tilespmem:$0x10400] =	vst v63  }
0xc6: {  	_ = 	snop  }
0xc7: {  	[tilespmem:s10], [sflag:$0x3] =	stream.indirect.gather [hbm4b:s3+s19], $0x80, s19, s19, $0xb8;
	[tilespmem:$0x10400] =	vst v63  }
0xc8: {  	_ = 	snop  }
0xc9: {  	[tilespmem:s11], [sflag:$0x4] =	stream.indirect.gather [hbm4b:s4+s19], $0x80, s26, s19, $0xb8;
	[tilespmem:$0x10400] =	vst v63  }
0xca: {  	_ =	swait.ge [sflag:s22], $0x4000  }
0xcb: {  	[sflag:s22] =	ssyncset.done $0x0  }
0xcc: {  	[sflag:s22] =	ssyncadd.s32 $0xFFFFC000  }
0xcd: {  	_ =	swait.ge [sflag:s20], $0x4000  }
0xce: {  	[sflag:s20] =	ssyncset.done $0x0  }
0xcf: {  	s26 =	rddreg [dreg:$0x4];
	[sflag:s20] =	ssyncadd.s32 $0xFFFFC000  }
0xd0: {  	[hbm4b:s26+s2] =	stream.linear.scatter [tilespmem:s15], [sflag:$0x5], $0x4000, $0x38;
	[tilespmem:$0x10400] =	vst v63  }
0xd1: {  	s29 =	rddreg [dreg:$0x5]  }
0xd2: {  	[hbm4b:s29+s2] =	stream.linear.scatter [tilespmem:s16], [sflag:$0x6], $0x4000, $0x38;
	[tilespmem:$0x10400] =	vst v63  }
0xd3: {  	_ =	swait.ge [sflag:s12], $0x4000  }
0xd4: {  	[sflag:s12] =	ssyncset.done $0x0  }
0xd5: {  	[sflag:s12] =	ssyncadd.s32 $0xFFFFC000  }
0xd6: {  	_ =	swait.ge [sflag:s9], $0x4000  }
0xd7: {  	[sflag:s9] =	ssyncset.done $0x0  }
0xd8: {  	[sflag:s9] =	ssyncadd.s32 $0xFFFFC000  }
0xd9: {  	[tilespmem:s15], [sflag:$0x1] =	stream.indirect.gather [hbm4b:s3+s19], $0x80, s28, s19, $0xb8;
	[tilespmem:$0x10400] =	vst v63  }
0xda: {  	_ = 	snop  }
0xdb: {  	[tilespmem:s16], [sflag:$0x2] =	stream.indirect.gather [hbm4b:s4+s19], $0x80, s31, s19, $0xb8;
	[tilespmem:$0x10400] =	vst v63  }
0xdc: {  	_ =	swait.ge [sflag:s23], $0x4000  }
0xdd: {  	[sflag:s23] =	ssyncset.done $0x0  }
0xde: {  	[sflag:s23] =	ssyncadd.s32 $0xFFFFC000  }
0xdf: {  	_ =	swait.ge [sflag:s21], $0x4000  }
0xe0: {  	[sflag:s21] =	ssyncset.done $0x0  }
0xe1: {  	[sflag:s21] =	ssyncadd.s32 $0xFFFFC000  }
0xe2: {  	[hbm4b:s17+s2] =	stream.linear.scatter [tilespmem:s10], [sflag:$0x7], $0x4000, $0x38;
	[tilespmem:$0x10400] =	vst v63  }
0xe3: {  	_ = 	snop  }
0xe4: {  	[hbm4b:s18+s2] =	stream.linear.scatter [tilespmem:s11], [sflag:$0x8], $0x4000, $0x38;
	[tilespmem:$0x10400] =	vst v63  }
0xe5: {  	_ =	swait.ge [sflag:s14], $0x4000  }
0xe6: {  	[sflag:s14] =	ssyncset.done $0x0  }
0xe7: {  	[sflag:s14] =	ssyncadd.s32 $0xFFFFC000  }
0xe8: {  	_ =	swait.ge [sflag:s13], $0x4000  }
0xe9: {  	[sflag:s13] =	ssyncset.done $0x0  }
0xea: {  	[sflag:s13] =	ssyncadd.s32 $0xFFFFC000  }
0xeb: {  	[tilespmem:s10], [sflag:$0x3] =	stream.indirect.gather [hbm4b:s3+s19], $0x80, s25, s19, $0xb8;
	[tilespmem:$0x10400] =	vst v63  }
0xec: {  	s30 =	simm.s32 $0x380  }
0xed: {  	[tilespmem:s11], [sflag:$0x4] =	stream.indirect.gather [hbm4b:s4+s19], $0x80, s30, s19, $0xb8;
	[tilespmem:$0x10400] =	vst v63  }
0xee: {  	_ =	swait.ge [sflag:s22], $0x4000  }
0xef: {  	[sflag:s22] =	ssyncset.done $0x0  }
0xf0: {  	[sflag:s22] =	ssyncadd.s32 $0xFFFFC000  }
0xf1: {  	_ =	swait.ge [sflag:s20], $0x4000  }
0xf2: {  	[sflag:s20] =	ssyncset.done $0x0  }
0xf3: {  	[sflag:s20] =	ssyncadd.s32 $0xFFFFC000  }
0xf4: {  	[hbm4b:s7+s2] =	stream.linear.scatter [tilespmem:s15], [sflag:$0x5], $0x4000, $0x38;
	[tilespmem:$0x10400] =	vst v63  }
0xf5: {  	_ = 	snop  }
0xf6: {  	[hbm4b:s8+s2] =	stream.linear.scatter [tilespmem:s16], [sflag:$0x6], $0x4000, $0x38;
	[tilespmem:$0x10400] =	vst v63  }
0xf7: {  	_ =	swait.ge [sflag:s23], $0x4000  }
0xf8: {  	[sflag:s23] =	ssyncset.done $0x0  }
0xf9: {  	[sflag:s23] =	ssyncadd.s32 $0xFFFFC000  }
0xfa: {  	_ =	swait.ge [sflag:s21], $0x4000  }
0xfb: {  	[sflag:s21] =	ssyncset.done $0x0  }
0xfc: {  	[sflag:s21] =	ssyncadd.s32 $0xFFFFC000  }
0xfd: {  	[hbm4b:s5+s2] =	stream.linear.scatter [tilespmem:s10], [sflag:$0x7], $0x4000, $0x38;
	[tilespmem:$0x10400] =	vst v63  }
0xfe: {  	_ = 	snop  }
0xff: {  	[hbm4b:s6+s2] =	stream.linear.scatter [tilespmem:s11], [sflag:$0x8], $0x4000, $0x38;
	[tilespmem:$0x10400] =	vst v63  }
0x100: {  	_ =	swait.ge [sflag:s12], $0x4000  }
0x101: {  	[sflag:s12] =	ssyncset.done $0x0  }
0x102: {  	[sflag:s12] =	ssyncadd.s32 $0xFFFFC000  }
0x103: {  	_ =	swait.ge [sflag:s9], $0x4000  }
0x104: {  	[sflag:s9] =	ssyncset.done $0x0  }
0x105: {  	[sflag:s9] =	ssyncadd.s32 $0xFFFFC000  }
0x106: {  	_ =	swait.ge [sflag:s14], $0x4000  }
0x107: {  	[sflag:s14] =	ssyncset.done $0x0  }
0x108: {  	[sflag:s14] =	ssyncadd.s32 $0xFFFFC000  }
0x109: {  	_ =	swait.ge [sflag:s13], $0x4000  }
0x10a: {  	[sflag:s13] =	ssyncset.done $0x0  }
0x10b: {  	[sflag:s13] =	ssyncadd.s32 $0xFFFFC000  }
0x10c: {  	_ =	sfence.sel $0x180000  }
0x10d: {  	s31 =	stileid.u32;
	[bflag:$0x0] =	sbarrier.arrive $0xFFFF  }
0x10e: {  	p0 =	sne.s32 s31, $0x0;
	_ =	strace $0x90000047  }
0x10f: {  	s0 =	sadd.s32 @!p0 $0x100000, s24;
	[bflag:$0x2] =	sbarrier.arrive $0xFFFF  }
0x110: {  	[sflag:s0] =	ssyncadd.tile.s32 @!p0 $0x1;
	_ =	shalt  }
.LBB2_1:
.Ltmp3:
0x111: {  	(pc) =	sbr.rel .LBB2_6-.Ltmp3, $3  }
0x112: {  	_ =	sdelay $0x1  }
0x113: {  	s26 =	simm.s32 $0x280  }
0x114: {  	s31 =	simm.s32 $0x300;
	s28 =	simm.s32 $0x100;
	s25 =	simm.s32 $0x180  }
.LBB2_3:
.Ltmp4:
0x115: {  	(pc) =	sbr.rel .LBB2_6-.Ltmp4, $3  }
0x116: {  	_ =	sdelay $0x1  }
0x117: {  	s26 =	simm.s32 $0x280;
	s31 =	simm.s32 $0x300  }
0x118: {  	s28 =	simm.s32 $0x100;
	s25 =	simm.s32 $0x180;
	s24 =	rddreg [dreg:$0x1]  }
.Lfunc_end2:
_tile_overlayer_lowered:
.L_overlay_start_2:
0x119: {  	(tag) =	ssettag $0x2  }
0x11a: {  	s0 =	rddreg [dreg:$0x0];
	s2 =	stileid.u32  }
0x11b: {  	s1 =	rddreg [dreg:$0x1];
	p0 =	sne.s32 s2, $0x0  }
0x11c: {  	s3 =	rddreg [dreg:$0x2];
	[bflag:$0x3] =	sbarrier.arrive $0xFFFF;
	s2 =	simm.s32 @!p0 $0x1C09  }
0x11d: {  	[timem:s3], [sflag:s2] =	dma.local @!p0 [hbm:s0], s1  }
0x11e: {  	s0 =	simm.s32 @!p0 $0x9  }
0x11f: {  	_ =	swait.ge @!p0 [sflag:s0], s1  }
0x120: {  	s1 =	ssub.s32 @!p0 $0x0, s1;
	[sflag:s0] =	ssyncset.done @!p0 $0x0  }
0x121: {  	[sflag:s0] =	ssyncadd.s32 @!p0 s1  }
0x122: {  	[bflag:$0x3] =	sbarrier.arrive $0xFFFF  }
0x123: {  	_ =	shalt  }

</sc_bundles>
